<compile_context>
chip_gen: v7x
topology: tpu7x:2x2x1
jax: 0.10.2.dev20260603
libtpu: 0.0.44.dev20260713+nightly
codegen_flags: <defaults>
</compile_context>

<pallas_src>
import jax
import jax.numpy as jnp
from jax.experimental import pallas as pl
from jax.experimental.pallas import tpu as pltpu

_K = 200
_NSORT = 256
_VIEWS = 4
_ROWS_PER_STEP = 1024
_PAD_VAL = jnp.iinfo(jnp.int32).max


_G = 32
_L = 128


def _halfclean(t, k, j, asc):
    b_dim = t.shape[0]
    z = t.reshape(-1, 2 * j * _G, _L)
    a, b = z[:, : j * _G], z[:, j * _G :]
    lo, hi = jnp.minimum(a, b), jnp.maximum(a, b)
    pair = jnp.concatenate([lo, hi] if asc else [hi, lo], axis=1)
    return pair.reshape(b_dim, k * _G, _L)


def _bitonic_sort_grouped(x, n):
    k = 2
    while k <= n:
        j = k // 2
        while j >= 1:
            nb = n // k
            if nb == 1:
                x = _halfclean(x.reshape(1, n * _G, _L), k, j, True)
                x = x.reshape(n * _G, _L)
            else:
                y = x.reshape(nb // 2, 2 * k * _G, _L)
                asc = _halfclean(y[:, : k * _G], k, j, True)
                desc = _halfclean(y[:, k * _G :], k, j, False)
                x = jnp.concatenate([asc, desc], axis=1).reshape(n * _G, _L)
            j //= 2
        k *= 2
    return x


def _body(v0_ref, v1_ref, v2_ref, v3_ref, o_ref):
    x = jnp.concatenate(
        [r[:, 0] for r in (v0_ref, v1_ref, v2_ref, v3_ref)], axis=1
    )
    pad = jnp.full((_NSORT - _K,) + x.shape[1:], _PAD_VAL, jnp.int32)
    x = jnp.concatenate([x, pad], axis=0)
    s = _bitonic_sort_grouped(x.reshape(_NSORT * _G, _L), _NSORT)
    s = s.reshape(_NSORT, _G, _L)
    neq = (s[1:_K] != s[: _K - 1]).astype(jnp.float32)
    uniq = 1.0 + jnp.sum(neq, axis=0)
    per_view = uniq.reshape(_VIEWS, 8, 128)
    o_ref[0] = -0.25 * jnp.sum(per_view, axis=0)


def kernel(neighbors, images):
    del images
    n_rows, k = neighbors.shape
    batch = n_rows // _VIEWS
    n_steps = batch // _ROWS_PER_STEP
    nt = neighbors.reshape(_VIEWS * n_steps, _ROWS_PER_STEP, k)
    nt = nt.transpose(2, 0, 1).reshape(k, _VIEWS * n_steps, 8, 128)

    def vspec(v):
        return pl.BlockSpec(
            (k, 1, 8, 128), lambda b, v=v: (0, v * n_steps + b, 0, 0)
        )

    out = pl.pallas_call(
        _body,
        grid=(n_steps,),
        in_specs=[vspec(0), vspec(1), vspec(2), vspec(3)],
        out_specs=pl.BlockSpec((1, 8, 128), lambda b: (b, 0, 0)),
        out_shape=jax.ShapeDtypeStruct((n_steps, 8, 128), jnp.float32),
        compiler_params=pltpu.CompilerParams(
            dimension_semantics=("parallel",),
        ),
    )(nt, nt, nt, nt)
    return out.reshape(batch)

# --- scband reference (transcript-rebuilt; emitter-appended) ---
"""Pipeline reference for scband-neighbor-variation-15530601742462 (READ-ONLY COPY).

The authoritative reference and input builder live on the scoring server;
editing this copy changes nothing except your own understanding.
"""

import jax, jax.numpy as jnp
import numpy as np

NUM_VIEWS = 4
AUG_TYPE = "standard"
N_ROWS = 65536  # num_views * batch (4 * 16384)
K_NEIGH = 200
VOCAB = 100000


def setup_inputs(seed: int = 0) -> dict:
    key = jax.random.key(seed)
    k1, k2 = jax.random.split(key)
    # neighbors: integer neighbor ids per row (output of the wrapped `model`).
    # int32 used on the jax side (values < 100000 fit); torch side is int64.
    neighbors = jax.random.randint(k1, (N_ROWS, K_NEIGH), 0, VOCAB, dtype=jnp.int32)
    # images stand in for the float input to the wrapped model; the
    # unique-count output is piecewise-constant w.r.t. them.
    images = jax.random.normal(k2, (N_ROWS, 128), dtype=jnp.float32)
    return {"neighbors": neighbors, "images": images}


def _unique_counts_per_row(neighbors):
    # len(row.unique()) for each row, vectorized:
    # sort each row, then count boundaries between distinct values.
    s = jnp.sort(neighbors, axis=1)
    boundaries = (s[:, 1:] != s[:, :-1]).astype(jnp.float32)
    return 1.0 + jnp.sum(boundaries, axis=1)


def reference(neighbors, images):
    counts = _unique_counts_per_row(neighbors)  # float32[N]
    x = -1.0 * counts
    if AUG_TYPE != "no":
        x = x.reshape(NUM_VIEWS, -1)
        x = jnp.mean(x, axis=0)
    return x

if __name__ == "__main__":
    import jax
    _d = setup_inputs()
    print(jax.jit(kernel)(*tuple(_d.values())))

</pallas_src>

<mosaic_0001>
module attributes {stable_mosaic.version = 14 : i64} {
  func.func @_body(%arg0: i32, %arg1: memref<200x1x8x128xi32, #tpu.memory_space<vmem>>, %arg2: memref<200x1x8x128xi32, #tpu.memory_space<vmem>>, %arg3: memref<200x1x8x128xi32, #tpu.memory_space<vmem>>, %arg4: memref<200x1x8x128xi32, #tpu.memory_space<vmem>>, %arg5: memref<1x8x128xf32, #tpu.memory_space<vmem>>) attributes {dimension_semantics = [#tpu.dimension_semantics<parallel>], iteration_bounds = array<i64: 16>, scalar_prefetch = 0 : i64, scratch_operands = 0 : i64, tpu.core_type = #tpu.core_type<tc>, window_params = [{transform_indices = @transform_0, window_bounds = array<i64: 200, 1, 8, 128>}, {transform_indices = @transform_1, window_bounds = array<i64: 200, 1, 8, 128>}, {transform_indices = @transform_2, window_bounds = array<i64: 200, 1, 8, 128>}, {transform_indices = @transform_3, window_bounds = array<i64: 200, 1, 8, 128>}, {transform_indices = @transform_4, window_bounds = array<i64: 1, 8, 128>}]} {
    %get3A = arith.constant 0 : index
    %get3A_0 = arith.constant 0 : index
    %get3A_1 = arith.constant 0 : index
    %get3A_2 = arith.constant 0 : index
    %get3A_3 = vector.load %arg1[%get3A, %get3A_0, %get3A_1, %get3A_2] : memref<200x1x8x128xi32, #tpu.memory_space<vmem>>, vector<200x1x8x128xi32>
    %get3A_4 = vector.shape_cast %get3A_3 : vector<200x1x8x128xi32> to vector<200x8x128xi32>
    %get3A_5 = arith.constant 0 : index
    %get3A_6 = arith.constant 0 : index
    %get3A_7 = arith.constant 0 : index
    %get3A_8 = arith.constant 0 : index
    %get3A_9 = vector.load %arg2[%get3A_5, %get3A_6, %get3A_7, %get3A_8] : memref<200x1x8x128xi32, #tpu.memory_space<vmem>>, vector<200x1x8x128xi32>
    %get3A_10 = vector.shape_cast %get3A_9 : vector<200x1x8x128xi32> to vector<200x8x128xi32>
    %get3A_11 = arith.constant 0 : index
    %get3A_12 = arith.constant 0 : index
    %get3A_13 = arith.constant 0 : index
    %get3A_14 = arith.constant 0 : index
    %get3A_15 = vector.load %arg3[%get3A_11, %get3A_12, %get3A_13, %get3A_14] : memref<200x1x8x128xi32, #tpu.memory_space<vmem>>, vector<200x1x8x128xi32>
    %get3A_16 = vector.shape_cast %get3A_15 : vector<200x1x8x128xi32> to vector<200x8x128xi32>
    %get3A_17 = arith.constant 0 : index
    %get3A_18 = arith.constant 0 : index
    %get3A_19 = arith.constant 0 : index
    %get3A_20 = arith.constant 0 : index
    %get3A_21 = vector.load %arg4[%get3A_17, %get3A_18, %get3A_19, %get3A_20] : memref<200x1x8x128xi32, #tpu.memory_space<vmem>>, vector<200x1x8x128xi32>
    %get3A_22 = vector.shape_cast %get3A_21 : vector<200x1x8x128xi32> to vector<200x8x128xi32>
    %concatenate3A = tpu.concatenate %get3A_4, %get3A_10, %get3A_16, %get3A_22 in 1 : vector<200x8x128xi32>, vector<200x8x128xi32>, vector<200x8x128xi32>, vector<200x8x128xi32> -> vector<200x32x128xi32>
    %broadcast_in_dim3A = arith.constant 2147483647 : i32
    %broadcast_in_dim3A_23 = vector.broadcast %broadcast_in_dim3A : i32 to vector<56x32x128xi32>
    %concatenate3A_24 = tpu.concatenate %concatenate3A, %broadcast_in_dim3A_23 in 0 : vector<200x32x128xi32>, vector<56x32x128xi32> -> vector<256x32x128xi32>
    %reshape3A = vector.shape_cast %concatenate3A_24 : vector<256x32x128xi32> to vector<8192x128xi32>
    %reshape3A_25 = vector.shape_cast %reshape3A : vector<8192x128xi32> to vector<64x128x128xi32>
    %slice3A = vector.extract_strided_slice %reshape3A_25 {offsets = [0, 0, 0], sizes = [64, 64, 128], strides = [1, 1, 1]} : vector<64x128x128xi32> to vector<64x64x128xi32>
    %slice3A_26 = vector.extract_strided_slice %slice3A {offsets = [0, 0, 0], sizes = [64, 32, 128], strides = [1, 1, 1]} : vector<64x64x128xi32> to vector<64x32x128xi32>
    %slice3A_27 = vector.extract_strided_slice %slice3A {offsets = [0, 32, 0], sizes = [64, 32, 128], strides = [1, 1, 1]} : vector<64x64x128xi32> to vector<64x32x128xi32>
    %min3A = arith.minsi %slice3A_26, %slice3A_27 : vector<64x32x128xi32>
    %max3A = arith.maxsi %slice3A_26, %slice3A_27 : vector<64x32x128xi32>
    %concatenate3A_28 = tpu.concatenate %min3A, %max3A in 1 : vector<64x32x128xi32>, vector<64x32x128xi32> -> vector<64x64x128xi32>
    %slice3A_29 = vector.extract_strided_slice %reshape3A_25 {offsets = [0, 64, 0], sizes = [64, 64, 128], strides = [1, 1, 1]} : vector<64x128x128xi32> to vector<64x64x128xi32>
    %slice3A_30 = vector.extract_strided_slice %slice3A_29 {offsets = [0, 0, 0], sizes = [64, 32, 128], strides = [1, 1, 1]} : vector<64x64x128xi32> to vector<64x32x128xi32>
    %slice3A_31 = vector.extract_strided_slice %slice3A_29 {offsets = [0, 32, 0], sizes = [64, 32, 128], strides = [1, 1, 1]} : vector<64x64x128xi32> to vector<64x32x128xi32>
    %min3A_32 = arith.minsi %slice3A_30, %slice3A_31 : vector<64x32x128xi32>
    %max3A_33 = arith.maxsi %slice3A_30, %slice3A_31 : vector<64x32x128xi32>
    %concatenate3A_34 = tpu.concatenate %max3A_33, %min3A_32 in 1 : vector<64x32x128xi32>, vector<64x32x128xi32> -> vector<64x64x128xi32>
    %concatenate3A_35 = tpu.concatenate %concatenate3A_28, %concatenate3A_34 in 1 : vector<64x64x128xi32>, vector<64x64x128xi32> -> vector<64x128x128xi32>
    %reshape3A_36 = vector.shape_cast %concatenate3A_35 : vector<64x128x128xi32> to vector<8192x128xi32>
    %reshape3A_37 = vector.shape_cast %reshape3A_36 : vector<8192x128xi32> to vector<32x256x128xi32>
    %slice3A_38 = vector.extract_strided_slice %reshape3A_37 {offsets = [0, 0, 0], sizes = [32, 128, 128], strides = [1, 1, 1]} : vector<32x256x128xi32> to vector<32x128x128xi32>
    %slice3A_39 = vector.extract_strided_slice %slice3A_38 {offsets = [0, 0, 0], sizes = [32, 64, 128], strides = [1, 1, 1]} : vector<32x128x128xi32> to vector<32x64x128xi32>
    %slice3A_40 = vector.extract_strided_slice %slice3A_38 {offsets = [0, 64, 0], sizes = [32, 64, 128], strides = [1, 1, 1]} : vector<32x128x128xi32> to vector<32x64x128xi32>
    %min3A_41 = arith.minsi %slice3A_39, %slice3A_40 : vector<32x64x128xi32>
    %max3A_42 = arith.maxsi %slice3A_39, %slice3A_40 : vector<32x64x128xi32>
    %concatenate3A_43 = tpu.concatenate %min3A_41, %max3A_42 in 1 : vector<32x64x128xi32>, vector<32x64x128xi32> -> vector<32x128x128xi32>
    %slice3A_44 = vector.extract_strided_slice %reshape3A_37 {offsets = [0, 128, 0], sizes = [32, 128, 128], strides = [1, 1, 1]} : vector<32x256x128xi32> to vector<32x128x128xi32>
    %slice3A_45 = vector.extract_strided_slice %slice3A_44 {offsets = [0, 0, 0], sizes = [32, 64, 128], strides = [1, 1, 1]} : vector<32x128x128xi32> to vector<32x64x128xi32>
    %slice3A_46 = vector.extract_strided_slice %slice3A_44 {offsets = [0, 64, 0], sizes = [32, 64, 128], strides = [1, 1, 1]} : vector<32x128x128xi32> to vector<32x64x128xi32>
    %min3A_47 = arith.minsi %slice3A_45, %slice3A_46 : vector<32x64x128xi32>
    %max3A_48 = arith.maxsi %slice3A_45, %slice3A_46 : vector<32x64x128xi32>
    %concatenate3A_49 = tpu.concatenate %max3A_48, %min3A_47 in 1 : vector<32x64x128xi32>, vector<32x64x128xi32> -> vector<32x128x128xi32>
    %concatenate3A_50 = tpu.concatenate %concatenate3A_43, %concatenate3A_49 in 1 : vector<32x128x128xi32>, vector<32x128x128xi32> -> vector<32x256x128xi32>
    %reshape3A_51 = vector.shape_cast %concatenate3A_50 : vector<32x256x128xi32> to vector<8192x128xi32>
    %reshape3A_52 = vector.shape_cast %reshape3A_51 : vector<8192x128xi32> to vector<32x256x128xi32>
    %slice3A_53 = vector.extract_strided_slice %reshape3A_52 {offsets = [0, 0, 0], sizes = [32, 128, 128], strides = [1, 1, 1]} : vector<32x256x128xi32> to vector<32x128x128xi32>
    %reshape3A_54 = vector.shape_cast %slice3A_53 : vector<32x128x128xi32> to vector<64x64x128xi32>
    %slice3A_55 = vector.extract_strided_slice %reshape3A_54 {offsets = [0, 0, 0], sizes = [64, 32, 128], strides = [1, 1, 1]} : vector<64x64x128xi32> to vector<64x32x128xi32>
    %slice3A_56 = vector.extract_strided_slice %reshape3A_54 {offsets = [0, 32, 0], sizes = [64, 32, 128], strides = [1, 1, 1]} : vector<64x64x128xi32> to vector<64x32x128xi32>
    %min3A_57 = arith.minsi %slice3A_55, %slice3A_56 : vector<64x32x128xi32>
    %max3A_58 = arith.maxsi %slice3A_55, %slice3A_56 : vector<64x32x128xi32>
    %concatenate3A_59 = tpu.concatenate %min3A_57, %max3A_58 in 1 : vector<64x32x128xi32>, vector<64x32x128xi32> -> vector<64x64x128xi32>
    %reshape3A_60 = vector.shape_cast %concatenate3A_59 : vector<64x64x128xi32> to vector<32x128x128xi32>
    %slice3A_61 = vector.extract_strided_slice %reshape3A_52 {offsets = [0, 128, 0], sizes = [32, 128, 128], strides = [1, 1, 1]} : vector<32x256x128xi32> to vector<32x128x128xi32>
    %reshape3A_62 = vector.shape_cast %slice3A_61 : vector<32x128x128xi32> to vector<64x64x128xi32>
    %slice3A_63 = vector.extract_strided_slice %reshape3A_62 {offsets = [0, 0, 0], sizes = [64, 32, 128], strides = [1, 1, 1]} : vector<64x64x128xi32> to vector<64x32x128xi32>
    %slice3A_64 = vector.extract_strided_slice %reshape3A_62 {offsets = [0, 32, 0], sizes = [64, 32, 128], strides = [1, 1, 1]} : vector<64x64x128xi32> to vector<64x32x128xi32>
    %min3A_65 = arith.minsi %slice3A_63, %slice3A_64 : vector<64x32x128xi32>
    %max3A_66 = arith.maxsi %slice3A_63, %slice3A_64 : vector<64x32x128xi32>
    %concatenate3A_67 = tpu.concatenate %max3A_66, %min3A_65 in 1 : vector<64x32x128xi32>, vector<64x32x128xi32> -> vector<64x64x128xi32>
    %reshape3A_68 = vector.shape_cast %concatenate3A_67 : vector<64x64x128xi32> to vector<32x128x128xi32>
    %concatenate3A_69 = tpu.concatenate %reshape3A_60, %reshape3A_68 in 1 : vector<32x128x128xi32>, vector<32x128x128xi32> -> vector<32x256x128xi32>
    %reshape3A_70 = vector.shape_cast %concatenate3A_69 : vector<32x256x128xi32> to vector<8192x128xi32>
    %reshape3A_71 = vector.shape_cast %reshape3A_70 : vector<8192x128xi32> to vector<16x512x128xi32>
    %slice3A_72 = vector.extract_strided_slice %reshape3A_71 {offsets = [0, 0, 0], sizes = [16, 256, 128], strides = [1, 1, 1]} : vector<16x512x128xi32> to vector<16x256x128xi32>
    %slice3A_73 = vector.extract_strided_slice %slice3A_72 {offsets = [0, 0, 0], sizes = [16, 128, 128], strides = [1, 1, 1]} : vector<16x256x128xi32> to vector<16x128x128xi32>
    %slice3A_74 = vector.extract_strided_slice %slice3A_72 {offsets = [0, 128, 0], sizes = [16, 128, 128], strides = [1, 1, 1]} : vector<16x256x128xi32> to vector<16x128x128xi32>
    %min3A_75 = arith.minsi %slice3A_73, %slice3A_74 : vector<16x128x128xi32>
    %max3A_76 = arith.maxsi %slice3A_73, %slice3A_74 : vector<16x128x128xi32>
    %concatenate3A_77 = tpu.concatenate %min3A_75, %max3A_76 in 1 : vector<16x128x128xi32>, vector<16x128x128xi32> -> vector<16x256x128xi32>
    %slice3A_78 = vector.extract_strided_slice %reshape3A_71 {offsets = [0, 256, 0], sizes = [16, 256, 128], strides = [1, 1, 1]} : vector<16x512x128xi32> to vector<16x256x128xi32>
    %slice3A_79 = vector.extract_strided_slice %slice3A_78 {offsets = [0, 0, 0], sizes = [16, 128, 128], strides = [1, 1, 1]} : vector<16x256x128xi32> to vector<16x128x128xi32>
    %slice3A_80 = vector.extract_strided_slice %slice3A_78 {offsets = [0, 128, 0], sizes = [16, 128, 128], strides = [1, 1, 1]} : vector<16x256x128xi32> to vector<16x128x128xi32>
    %min3A_81 = arith.minsi %slice3A_79, %slice3A_80 : vector<16x128x128xi32>
    %max3A_82 = arith.maxsi %slice3A_79, %slice3A_80 : vector<16x128x128xi32>
    %concatenate3A_83 = tpu.concatenate %max3A_82, %min3A_81 in 1 : vector<16x128x128xi32>, vector<16x128x128xi32> -> vector<16x256x128xi32>
    %concatenate3A_84 = tpu.concatenate %concatenate3A_77, %concatenate3A_83 in 1 : vector<16x256x128xi32>, vector<16x256x128xi32> -> vector<16x512x128xi32>
    %reshape3A_85 = vector.shape_cast %concatenate3A_84 : vector<16x512x128xi32> to vector<8192x128xi32>
    %reshape3A_86 = vector.shape_cast %reshape3A_85 : vector<8192x128xi32> to vector<16x512x128xi32>
    %slice3A_87 = vector.extract_strided_slice %reshape3A_86 {offsets = [0, 0, 0], sizes = [16, 256, 128], strides = [1, 1, 1]} : vector<16x512x128xi32> to vector<16x256x128xi32>
    %reshape3A_88 = vector.shape_cast %slice3A_87 : vector<16x256x128xi32> to vector<32x128x128xi32>
    %slice3A_89 = vector.extract_strided_slice %reshape3A_88 {offsets = [0, 0, 0], sizes = [32, 64, 128], strides = [1, 1, 1]} : vector<32x128x128xi32> to vector<32x64x128xi32>
    %slice3A_90 = vector.extract_strided_slice %reshape3A_88 {offsets = [0, 64, 0], sizes = [32, 64, 128], strides = [1, 1, 1]} : vector<32x128x128xi32> to vector<32x64x128xi32>
    %min3A_91 = arith.minsi %slice3A_89, %slice3A_90 : vector<32x64x128xi32>
    %max3A_92 = arith.maxsi %slice3A_89, %slice3A_90 : vector<32x64x128xi32>
    %concatenate3A_93 = tpu.concatenate %min3A_91, %max3A_92 in 1 : vector<32x64x128xi32>, vector<32x64x128xi32> -> vector<32x128x128xi32>
    %reshape3A_94 = vector.shape_cast %concatenate3A_93 : vector<32x128x128xi32> to vector<16x256x128xi32>
    %slice3A_95 = vector.extract_strided_slice %reshape3A_86 {offsets = [0, 256, 0], sizes = [16, 256, 128], strides = [1, 1, 1]} : vector<16x512x128xi32> to vector<16x256x128xi32>
    %reshape3A_96 = vector.shape_cast %slice3A_95 : vector<16x256x128xi32> to vector<32x128x128xi32>
    %slice3A_97 = vector.extract_strided_slice %reshape3A_96 {offsets = [0, 0, 0], sizes = [32, 64, 128], strides = [1, 1, 1]} : vector<32x128x128xi32> to vector<32x64x128xi32>
    %slice3A_98 = vector.extract_strided_slice %reshape3A_96 {offsets = [0, 64, 0], sizes = [32, 64, 128], strides = [1, 1, 1]} : vector<32x128x128xi32> to vector<32x64x128xi32>
    %min3A_99 = arith.minsi %slice3A_97, %slice3A_98 : vector<32x64x128xi32>
    %max3A_100 = arith.maxsi %slice3A_97, %slice3A_98 : vector<32x64x128xi32>
    %concatenate3A_101 = tpu.concatenate %max3A_100, %min3A_99 in 1 : vector<32x64x128xi32>, vector<32x64x128xi32> -> vector<32x128x128xi32>
    %reshape3A_102 = vector.shape_cast %concatenate3A_101 : vector<32x128x128xi32> to vector<16x256x128xi32>
    %concatenate3A_103 = tpu.concatenate %reshape3A_94, %reshape3A_102 in 1 : vector<16x256x128xi32>, vector<16x256x128xi32> -> vector<16x512x128xi32>
    %reshape3A_104 = vector.shape_cast %concatenate3A_103 : vector<16x512x128xi32> to vector<8192x128xi32>
    %reshape3A_105 = vector.shape_cast %reshape3A_104 : vector<8192x128xi32> to vector<16x512x128xi32>
    %slice3A_106 = vector.extract_strided_slice %reshape3A_105 {offsets = [0, 0, 0], sizes = [16, 256, 128], strides = [1, 1, 1]} : vector<16x512x128xi32> to vector<16x256x128xi32>
    %reshape3A_107 = vector.shape_cast %slice3A_106 : vector<16x256x128xi32> to vector<64x64x128xi32>
    %slice3A_108 = vector.extract_strided_slice %reshape3A_107 {offsets = [0, 0, 0], sizes = [64, 32, 128], strides = [1, 1, 1]} : vector<64x64x128xi32> to vector<64x32x128xi32>
    %slice3A_109 = vector.extract_strided_slice %reshape3A_107 {offsets = [0, 32, 0], sizes = [64, 32, 128], strides = [1, 1, 1]} : vector<64x64x128xi32> to vector<64x32x128xi32>
    %min3A_110 = arith.minsi %slice3A_108, %slice3A_109 : vector<64x32x128xi32>
    %max3A_111 = arith.maxsi %slice3A_108, %slice3A_109 : vector<64x32x128xi32>
    %concatenate3A_112 = tpu.concatenate %min3A_110, %max3A_111 in 1 : vector<64x32x128xi32>, vector<64x32x128xi32> -> vector<64x64x128xi32>
    %reshape3A_113 = vector.shape_cast %concatenate3A_112 : vector<64x64x128xi32> to vector<16x256x128xi32>
    %slice3A_114 = vector.extract_strided_slice %reshape3A_105 {offsets = [0, 256, 0], sizes = [16, 256, 128], strides = [1, 1, 1]} : vector<16x512x128xi32> to vector<16x256x128xi32>
    %reshape3A_115 = vector.shape_cast %slice3A_114 : vector<16x256x128xi32> to vector<64x64x128xi32>
    %slice3A_116 = vector.extract_strided_slice %reshape3A_115 {offsets = [0, 0, 0], sizes = [64, 32, 128], strides = [1, 1, 1]} : vector<64x64x128xi32> to vector<64x32x128xi32>
    %slice3A_117 = vector.extract_strided_slice %reshape3A_115 {offsets = [0, 32, 0], sizes = [64, 32, 128], strides = [1, 1, 1]} : vector<64x64x128xi32> to vector<64x32x128xi32>
    %min3A_118 = arith.minsi %slice3A_116, %slice3A_117 : vector<64x32x128xi32>
    %max3A_119 = arith.maxsi %slice3A_116, %slice3A_117 : vector<64x32x128xi32>
    %concatenate3A_120 = tpu.concatenate %max3A_119, %min3A_118 in 1 : vector<64x32x128xi32>, vector<64x32x128xi32> -> vector<64x64x128xi32>
    %reshape3A_121 = vector.shape_cast %concatenate3A_120 : vector<64x64x128xi32> to vector<16x256x128xi32>
    %concatenate3A_122 = tpu.concatenate %reshape3A_113, %reshape3A_121 in 1 : vector<16x256x128xi32>, vector<16x256x128xi32> -> vector<16x512x128xi32>
    %reshape3A_123 = vector.shape_cast %concatenate3A_122 : vector<16x512x128xi32> to vector<8192x128xi32>
    %reshape3A_124 = vector.shape_cast %reshape3A_123 : vector<8192x128xi32> to vector<8x1024x128xi32>
    %slice3A_125 = vector.extract_strided_slice %reshape3A_124 {offsets = [0, 0, 0], sizes = [8, 512, 128], strides = [1, 1, 1]} : vector<8x1024x128xi32> to vector<8x512x128xi32>
    %slice3A_126 = vector.extract_strided_slice %slice3A_125 {offsets = [0, 0, 0], sizes = [8, 256, 128], strides = [1, 1, 1]} : vector<8x512x128xi32> to vector<8x256x128xi32>
    %slice3A_127 = vector.extract_strided_slice %slice3A_125 {offsets = [0, 256, 0], sizes = [8, 256, 128], strides = [1, 1, 1]} : vector<8x512x128xi32> to vector<8x256x128xi32>
    %min3A_128 = arith.minsi %slice3A_126, %slice3A_127 : vector<8x256x128xi32>
    %max3A_129 = arith.maxsi %slice3A_126, %slice3A_127 : vector<8x256x128xi32>
    %concatenate3A_130 = tpu.concatenate %min3A_128, %max3A_129 in 1 : vector<8x256x128xi32>, vector<8x256x128xi32> -> vector<8x512x128xi32>
    %slice3A_131 = vector.extract_strided_slice %reshape3A_124 {offsets = [0, 512, 0], sizes = [8, 512, 128], strides = [1, 1, 1]} : vector<8x1024x128xi32> to vector<8x512x128xi32>
    %slice3A_132 = vector.extract_strided_slice %slice3A_131 {offsets = [0, 0, 0], sizes = [8, 256, 128], strides = [1, 1, 1]} : vector<8x512x128xi32> to vector<8x256x128xi32>
    %slice3A_133 = vector.extract_strided_slice %slice3A_131 {offsets = [0, 256, 0], sizes = [8, 256, 128], strides = [1, 1, 1]} : vector<8x512x128xi32> to vector<8x256x128xi32>
    %min3A_134 = arith.minsi %slice3A_132, %slice3A_133 : vector<8x256x128xi32>
    %max3A_135 = arith.maxsi %slice3A_132, %slice3A_133 : vector<8x256x128xi32>
    %concatenate3A_136 = tpu.concatenate %max3A_135, %min3A_134 in 1 : vector<8x256x128xi32>, vector<8x256x128xi32> -> vector<8x512x128xi32>
    %concatenate3A_137 = tpu.concatenate %concatenate3A_130, %concatenate3A_136 in 1 : vector<8x512x128xi32>, vector<8x512x128xi32> -> vector<8x1024x128xi32>
    %reshape3A_138 = vector.shape_cast %concatenate3A_137 : vector<8x1024x128xi32> to vector<8192x128xi32>
    %reshape3A_139 = vector.shape_cast %reshape3A_138 : vector<8192x128xi32> to vector<8x1024x128xi32>
    %slice3A_140 = vector.extract_strided_slice %reshape3A_139 {offsets = [0, 0, 0], sizes = [8, 512, 128], strides = [1, 1, 1]} : vector<8x1024x128xi32> to vector<8x512x128xi32>
    %reshape3A_141 = vector.shape_cast %slice3A_140 : vector<8x512x128xi32> to vector<16x256x128xi32>
    %slice3A_142 = vector.extract_strided_slice %reshape3A_141 {offsets = [0, 0, 0], sizes = [16, 128, 128], strides = [1, 1, 1]} : vector<16x256x128xi32> to vector<16x128x128xi32>
    %slice3A_143 = vector.extract_strided_slice %reshape3A_141 {offsets = [0, 128, 0], sizes = [16, 128, 128], strides = [1, 1, 1]} : vector<16x256x128xi32> to vector<16x128x128xi32>
    %min3A_144 = arith.minsi %slice3A_142, %slice3A_143 : vector<16x128x128xi32>
    %max3A_145 = arith.maxsi %slice3A_142, %slice3A_143 : vector<16x128x128xi32>
    %concatenate3A_146 = tpu.concatenate %min3A_144, %max3A_145 in 1 : vector<16x128x128xi32>, vector<16x128x128xi32> -> vector<16x256x128xi32>
    %reshape3A_147 = vector.shape_cast %concatenate3A_146 : vector<16x256x128xi32> to vector<8x512x128xi32>
    %slice3A_148 = vector.extract_strided_slice %reshape3A_139 {offsets = [0, 512, 0], sizes = [8, 512, 128], strides = [1, 1, 1]} : vector<8x1024x128xi32> to vector<8x512x128xi32>
    %reshape3A_149 = vector.shape_cast %slice3A_148 : vector<8x512x128xi32> to vector<16x256x128xi32>
    %slice3A_150 = vector.extract_strided_slice %reshape3A_149 {offsets = [0, 0, 0], sizes = [16, 128, 128], strides = [1, 1, 1]} : vector<16x256x128xi32> to vector<16x128x128xi32>
    %slice3A_151 = vector.extract_strided_slice %reshape3A_149 {offsets = [0, 128, 0], sizes = [16, 128, 128], strides = [1, 1, 1]} : vector<16x256x128xi32> to vector<16x128x128xi32>
    %min3A_152 = arith.minsi %slice3A_150, %slice3A_151 : vector<16x128x128xi32>
    %max3A_153 = arith.maxsi %slice3A_150, %slice3A_151 : vector<16x128x128xi32>
    %concatenate3A_154 = tpu.concatenate %max3A_153, %min3A_152 in 1 : vector<16x128x128xi32>, vector<16x128x128xi32> -> vector<16x256x128xi32>
    %reshape3A_155 = vector.shape_cast %concatenate3A_154 : vector<16x256x128xi32> to vector<8x512x128xi32>
    %concatenate3A_156 = tpu.concatenate %reshape3A_147, %reshape3A_155 in 1 : vector<8x512x128xi32>, vector<8x512x128xi32> -> vector<8x1024x128xi32>
    %reshape3A_157 = vector.shape_cast %concatenate3A_156 : vector<8x1024x128xi32> to vector<8192x128xi32>
    %reshape3A_158 = vector.shape_cast %reshape3A_157 : vector<8192x128xi32> to vector<8x1024x128xi32>
    %slice3A_159 = vector.extract_strided_slice %reshape3A_158 {offsets = [0, 0, 0], sizes = [8, 512, 128], strides = [1, 1, 1]} : vector<8x1024x128xi32> to vector<8x512x128xi32>
    %reshape3A_160 = vector.shape_cast %slice3A_159 : vector<8x512x128xi32> to vector<32x128x128xi32>
    %slice3A_161 = vector.extract_strided_slice %reshape3A_160 {offsets = [0, 0, 0], sizes = [32, 64, 128], strides = [1, 1, 1]} : vector<32x128x128xi32> to vector<32x64x128xi32>
    %slice3A_162 = vector.extract_strided_slice %reshape3A_160 {offsets = [0, 64, 0], sizes = [32, 64, 128], strides = [1, 1, 1]} : vector<32x128x128xi32> to vector<32x64x128xi32>
    %min3A_163 = arith.minsi %slice3A_161, %slice3A_162 : vector<32x64x128xi32>
    %max3A_164 = arith.maxsi %slice3A_161, %slice3A_162 : vector<32x64x128xi32>
    %concatenate3A_165 = tpu.concatenate %min3A_163, %max3A_164 in 1 : vector<32x64x128xi32>, vector<32x64x128xi32> -> vector<32x128x128xi32>
    %reshape3A_166 = vector.shape_cast %concatenate3A_165 : vector<32x128x128xi32> to vector<8x512x128xi32>
    %slice3A_167 = vector.extract_strided_slice %reshape3A_158 {offsets = [0, 512, 0], sizes = [8, 512, 128], strides = [1, 1, 1]} : vector<8x1024x128xi32> to vector<8x512x128xi32>
    %reshape3A_168 = vector.shape_cast %slice3A_167 : vector<8x512x128xi32> to vector<32x128x128xi32>
    %slice3A_169 = vector.extract_strided_slice %reshape3A_168 {offsets = [0, 0, 0], sizes = [32, 64, 128], strides = [1, 1, 1]} : vector<32x128x128xi32> to vector<32x64x128xi32>
    %slice3A_170 = vector.extract_strided_slice %reshape3A_168 {offsets = [0, 64, 0], sizes = [32, 64, 128], strides = [1, 1, 1]} : vector<32x128x128xi32> to vector<32x64x128xi32>
    %min3A_171 = arith.minsi %slice3A_169, %slice3A_170 : vector<32x64x128xi32>
    %max3A_172 = arith.maxsi %slice3A_169, %slice3A_170 : vector<32x64x128xi32>
    %concatenate3A_173 = tpu.concatenate %max3A_172, %min3A_171 in 1 : vector<32x64x128xi32>, vector<32x64x128xi32> -> vector<32x128x128xi32>
    %reshape3A_174 = vector.shape_cast %concatenate3A_173 : vector<32x128x128xi32> to vector<8x512x128xi32>
    %concatenate3A_175 = tpu.concatenate %reshape3A_166, %reshape3A_174 in 1 : vector<8x512x128xi32>, vector<8x512x128xi32> -> vector<8x1024x128xi32>
    %reshape3A_176 = vector.shape_cast %concatenate3A_175 : vector<8x1024x128xi32> to vector<8192x128xi32>
    %reshape3A_177 = vector.shape_cast %reshape3A_176 : vector<8192x128xi32> to vector<8x1024x128xi32>
    %slice3A_178 = vector.extract_strided_slice %reshape3A_177 {offsets = [0, 0, 0], sizes = [8, 512, 128], strides = [1, 1, 1]} : vector<8x1024x128xi32> to vector<8x512x128xi32>
    %reshape3A_179 = vector.shape_cast %slice3A_178 : vector<8x512x128xi32> to vector<64x64x128xi32>
    %slice3A_180 = vector.extract_strided_slice %reshape3A_179 {offsets = [0, 0, 0], sizes = [64, 32, 128], strides = [1, 1, 1]} : vector<64x64x128xi32> to vector<64x32x128xi32>
    %slice3A_181 = vector.extract_strided_slice %reshape3A_179 {offsets = [0, 32, 0], sizes = [64, 32, 128], strides = [1, 1, 1]} : vector<64x64x128xi32> to vector<64x32x128xi32>
    %min3A_182 = arith.minsi %slice3A_180, %slice3A_181 : vector<64x32x128xi32>
    %max3A_183 = arith.maxsi %slice3A_180, %slice3A_181 : vector<64x32x128xi32>
    %concatenate3A_184 = tpu.concatenate %min3A_182, %max3A_183 in 1 : vector<64x32x128xi32>, vector<64x32x128xi32> -> vector<64x64x128xi32>
    %reshape3A_185 = vector.shape_cast %concatenate3A_184 : vector<64x64x128xi32> to vector<8x512x128xi32>
    %slice3A_186 = vector.extract_strided_slice %reshape3A_177 {offsets = [0, 512, 0], sizes = [8, 512, 128], strides = [1, 1, 1]} : vector<8x1024x128xi32> to vector<8x512x128xi32>
    %reshape3A_187 = vector.shape_cast %slice3A_186 : vector<8x512x128xi32> to vector<64x64x128xi32>
    %slice3A_188 = vector.extract_strided_slice %reshape3A_187 {offsets = [0, 0, 0], sizes = [64, 32, 128], strides = [1, 1, 1]} : vector<64x64x128xi32> to vector<64x32x128xi32>
    %slice3A_189 = vector.extract_strided_slice %reshape3A_187 {offsets = [0, 32, 0], sizes = [64, 32, 128], strides = [1, 1, 1]} : vector<64x64x128xi32> to vector<64x32x128xi32>
    %min3A_190 = arith.minsi %slice3A_188, %slice3A_189 : vector<64x32x128xi32>
    %max3A_191 = arith.maxsi %slice3A_188, %slice3A_189 : vector<64x32x128xi32>
    %concatenate3A_192 = tpu.concatenate %max3A_191, %min3A_190 in 1 : vector<64x32x128xi32>, vector<64x32x128xi32> -> vector<64x64x128xi32>
    %reshape3A_193 = vector.shape_cast %concatenate3A_192 : vector<64x64x128xi32> to vector<8x512x128xi32>
    %concatenate3A_194 = tpu.concatenate %reshape3A_185, %reshape3A_193 in 1 : vector<8x512x128xi32>, vector<8x512x128xi32> -> vector<8x1024x128xi32>
    %reshape3A_195 = vector.shape_cast %concatenate3A_194 : vector<8x1024x128xi32> to vector<8192x128xi32>
    %reshape3A_196 = vector.shape_cast %reshape3A_195 : vector<8192x128xi32> to vector<4x2048x128xi32>
    %slice3A_197 = vector.extract_strided_slice %reshape3A_196 {offsets = [0, 0, 0], sizes = [4, 1024, 128], strides = [1, 1, 1]} : vector<4x2048x128xi32> to vector<4x1024x128xi32>
    %slice3A_198 = vector.extract_strided_slice %slice3A_197 {offsets = [0, 0, 0], sizes = [4, 512, 128], strides = [1, 1, 1]} : vector<4x1024x128xi32> to vector<4x512x128xi32>
    %slice3A_199 = vector.extract_strided_slice %slice3A_197 {offsets = [0, 512, 0], sizes = [4, 512, 128], strides = [1, 1, 1]} : vector<4x1024x128xi32> to vector<4x512x128xi32>
    %min3A_200 = arith.minsi %slice3A_198, %slice3A_199 : vector<4x512x128xi32>
    %max3A_201 = arith.maxsi %slice3A_198, %slice3A_199 : vector<4x512x128xi32>
    %concatenate3A_202 = tpu.concatenate %min3A_200, %max3A_201 in 1 : vector<4x512x128xi32>, vector<4x512x128xi32> -> vector<4x1024x128xi32>
    %slice3A_203 = vector.extract_strided_slice %reshape3A_196 {offsets = [0, 1024, 0], sizes = [4, 1024, 128], strides = [1, 1, 1]} : vector<4x2048x128xi32> to vector<4x1024x128xi32>
    %slice3A_204 = vector.extract_strided_slice %slice3A_203 {offsets = [0, 0, 0], sizes = [4, 512, 128], strides = [1, 1, 1]} : vector<4x1024x128xi32> to vector<4x512x128xi32>
    %slice3A_205 = vector.extract_strided_slice %slice3A_203 {offsets = [0, 512, 0], sizes = [4, 512, 128], strides = [1, 1, 1]} : vector<4x1024x128xi32> to vector<4x512x128xi32>
    %min3A_206 = arith.minsi %slice3A_204, %slice3A_205 : vector<4x512x128xi32>
    %max3A_207 = arith.maxsi %slice3A_204, %slice3A_205 : vector<4x512x128xi32>
    %concatenate3A_208 = tpu.concatenate %max3A_207, %min3A_206 in 1 : vector<4x512x128xi32>, vector<4x512x128xi32> -> vector<4x1024x128xi32>
    %concatenate3A_209 = tpu.concatenate %concatenate3A_202, %concatenate3A_208 in 1 : vector<4x1024x128xi32>, vector<4x1024x128xi32> -> vector<4x2048x128xi32>
    %reshape3A_210 = vector.shape_cast %concatenate3A_209 : vector<4x2048x128xi32> to vector<8192x128xi32>
    %reshape3A_211 = vector.shape_cast %reshape3A_210 : vector<8192x128xi32> to vector<4x2048x128xi32>
    %slice3A_212 = vector.extract_strided_slice %reshape3A_211 {offsets = [0, 0, 0], sizes = [4, 1024, 128], strides = [1, 1, 1]} : vector<4x2048x128xi32> to vector<4x1024x128xi32>
    %reshape3A_213 = vector.shape_cast %slice3A_212 : vector<4x1024x128xi32> to vector<8x512x128xi32>
    %slice3A_214 = vector.extract_strided_slice %reshape3A_213 {offsets = [0, 0, 0], sizes = [8, 256, 128], strides = [1, 1, 1]} : vector<8x512x128xi32> to vector<8x256x128xi32>
    %slice3A_215 = vector.extract_strided_slice %reshape3A_213 {offsets = [0, 256, 0], sizes = [8, 256, 128], strides = [1, 1, 1]} : vector<8x512x128xi32> to vector<8x256x128xi32>
    %min3A_216 = arith.minsi %slice3A_214, %slice3A_215 : vector<8x256x128xi32>
    %max3A_217 = arith.maxsi %slice3A_214, %slice3A_215 : vector<8x256x128xi32>
    %concatenate3A_218 = tpu.concatenate %min3A_216, %max3A_217 in 1 : vector<8x256x128xi32>, vector<8x256x128xi32> -> vector<8x512x128xi32>
    %reshape3A_219 = vector.shape_cast %concatenate3A_218 : vector<8x512x128xi32> to vector<4x1024x128xi32>
    %slice3A_220 = vector.extract_strided_slice %reshape3A_211 {offsets = [0, 1024, 0], sizes = [4, 1024, 128], strides = [1, 1, 1]} : vector<4x2048x128xi32> to vector<4x1024x128xi32>
    %reshape3A_221 = vector.shape_cast %slice3A_220 : vector<4x1024x128xi32> to vector<8x512x128xi32>
    %slice3A_222 = vector.extract_strided_slice %reshape3A_221 {offsets = [0, 0, 0], sizes = [8, 256, 128], strides = [1, 1, 1]} : vector<8x512x128xi32> to vector<8x256x128xi32>
    %slice3A_223 = vector.extract_strided_slice %reshape3A_221 {offsets = [0, 256, 0], sizes = [8, 256, 128], strides = [1, 1, 1]} : vector<8x512x128xi32> to vector<8x256x128xi32>
    %min3A_224 = arith.minsi %slice3A_222, %slice3A_223 : vector<8x256x128xi32>
    %max3A_225 = arith.maxsi %slice3A_222, %slice3A_223 : vector<8x256x128xi32>
    %concatenate3A_226 = tpu.concatenate %max3A_225, %min3A_224 in 1 : vector<8x256x128xi32>, vector<8x256x128xi32> -> vector<8x512x128xi32>
    %reshape3A_227 = vector.shape_cast %concatenate3A_226 : vector<8x512x128xi32> to vector<4x1024x128xi32>
    %concatenate3A_228 = tpu.concatenate %reshape3A_219, %reshape3A_227 in 1 : vector<4x1024x128xi32>, vector<4x1024x128xi32> -> vector<4x2048x128xi32>
    %reshape3A_229 = vector.shape_cast %concatenate3A_228 : vector<4x2048x128xi32> to vector<8192x128xi32>
    %reshape3A_230 = vector.shape_cast %reshape3A_229 : vector<8192x128xi32> to vector<4x2048x128xi32>
    %slice3A_231 = vector.extract_strided_slice %reshape3A_230 {offsets = [0, 0, 0], sizes = [4, 1024, 128], strides = [1, 1, 1]} : vector<4x2048x128xi32> to vector<4x1024x128xi32>
    %reshape3A_232 = vector.shape_cast %slice3A_231 : vector<4x1024x128xi32> to vector<16x256x128xi32>
    %slice3A_233 = vector.extract_strided_slice %reshape3A_232 {offsets = [0, 0, 0], sizes = [16, 128, 128], strides = [1, 1, 1]} : vector<16x256x128xi32> to vector<16x128x128xi32>
    %slice3A_234 = vector.extract_strided_slice %reshape3A_232 {offsets = [0, 128, 0], sizes = [16, 128, 128], strides = [1, 1, 1]} : vector<16x256x128xi32> to vector<16x128x128xi32>
    %min3A_235 = arith.minsi %slice3A_233, %slice3A_234 : vector<16x128x128xi32>
    %max3A_236 = arith.maxsi %slice3A_233, %slice3A_234 : vector<16x128x128xi32>
    %concatenate3A_237 = tpu.concatenate %min3A_235, %max3A_236 in 1 : vector<16x128x128xi32>, vector<16x128x128xi32> -> vector<16x256x128xi32>
    %reshape3A_238 = vector.shape_cast %concatenate3A_237 : vector<16x256x128xi32> to vector<4x1024x128xi32>
    %slice3A_239 = vector.extract_strided_slice %reshape3A_230 {offsets = [0, 1024, 0], sizes = [4, 1024, 128], strides = [1, 1, 1]} : vector<4x2048x128xi32> to vector<4x1024x128xi32>
    %reshape3A_240 = vector.shape_cast %slice3A_239 : vector<4x1024x128xi32> to vector<16x256x128xi32>
    %slice3A_241 = vector.extract_strided_slice %reshape3A_240 {offsets = [0, 0, 0], sizes = [16, 128, 128], strides = [1, 1, 1]} : vector<16x256x128xi32> to vector<16x128x128xi32>
    %slice3A_242 = vector.extract_strided_slice %reshape3A_240 {offsets = [0, 128, 0], sizes = [16, 128, 128], strides = [1, 1, 1]} : vector<16x256x128xi32> to vector<16x128x128xi32>
    %min3A_243 = arith.minsi %slice3A_241, %slice3A_242 : vector<16x128x128xi32>
    %max3A_244 = arith.maxsi %slice3A_241, %slice3A_242 : vector<16x128x128xi32>
    %concatenate3A_245 = tpu.concatenate %max3A_244, %min3A_243 in 1 : vector<16x128x128xi32>, vector<16x128x128xi32> -> vector<16x256x128xi32>
    %reshape3A_246 = vector.shape_cast %concatenate3A_245 : vector<16x256x128xi32> to vector<4x1024x128xi32>
    %concatenate3A_247 = tpu.concatenate %reshape3A_238, %reshape3A_246 in 1 : vector<4x1024x128xi32>, vector<4x1024x128xi32> -> vector<4x2048x128xi32>
    %reshape3A_248 = vector.shape_cast %concatenate3A_247 : vector<4x2048x128xi32> to vector<8192x128xi32>
    %reshape3A_249 = vector.shape_cast %reshape3A_248 : vector<8192x128xi32> to vector<4x2048x128xi32>
    %slice3A_250 = vector.extract_strided_slice %reshape3A_249 {offsets = [0, 0, 0], sizes = [4, 1024, 128], strides = [1, 1, 1]} : vector<4x2048x128xi32> to vector<4x1024x128xi32>
    %reshape3A_251 = vector.shape_cast %slice3A_250 : vector<4x1024x128xi32> to vector<32x128x128xi32>
    %slice3A_252 = vector.extract_strided_slice %reshape3A_251 {offsets = [0, 0, 0], sizes = [32, 64, 128], strides = [1, 1, 1]} : vector<32x128x128xi32> to vector<32x64x128xi32>
    %slice3A_253 = vector.extract_strided_slice %reshape3A_251 {offsets = [0, 64, 0], sizes = [32, 64, 128], strides = [1, 1, 1]} : vector<32x128x128xi32> to vector<32x64x128xi32>
    %min3A_254 = arith.minsi %slice3A_252, %slice3A_253 : vector<32x64x128xi32>
    %max3A_255 = arith.maxsi %slice3A_252, %slice3A_253 : vector<32x64x128xi32>
    %concatenate3A_256 = tpu.concatenate %min3A_254, %max3A_255 in 1 : vector<32x64x128xi32>, vector<32x64x128xi32> -> vector<32x128x128xi32>
    %reshape3A_257 = vector.shape_cast %concatenate3A_256 : vector<32x128x128xi32> to vector<4x1024x128xi32>
    %slice3A_258 = vector.extract_strided_slice %reshape3A_249 {offsets = [0, 1024, 0], sizes = [4, 1024, 128], strides = [1, 1, 1]} : vector<4x2048x128xi32> to vector<4x1024x128xi32>
    %reshape3A_259 = vector.shape_cast %slice3A_258 : vector<4x1024x128xi32> to vector<32x128x128xi32>
    %slice3A_260 = vector.extract_strided_slice %reshape3A_259 {offsets = [0, 0, 0], sizes = [32, 64, 128], strides = [1, 1, 1]} : vector<32x128x128xi32> to vector<32x64x128xi32>
    %slice3A_261 = vector.extract_strided_slice %reshape3A_259 {offsets = [0, 64, 0], sizes = [32, 64, 128], strides = [1, 1, 1]} : vector<32x128x128xi32> to vector<32x64x128xi32>
    %min3A_262 = arith.minsi %slice3A_260, %slice3A_261 : vector<32x64x128xi32>
    %max3A_263 = arith.maxsi %slice3A_260, %slice3A_261 : vector<32x64x128xi32>
    %concatenate3A_264 = tpu.concatenate %max3A_263, %min3A_262 in 1 : vector<32x64x128xi32>, vector<32x64x128xi32> -> vector<32x128x128xi32>
    %reshape3A_265 = vector.shape_cast %concatenate3A_264 : vector<32x128x128xi32> to vector<4x1024x128xi32>
    %concatenate3A_266 = tpu.concatenate %reshape3A_257, %reshape3A_265 in 1 : vector<4x1024x128xi32>, vector<4x1024x128xi32> -> vector<4x2048x128xi32>
    %reshape3A_267 = vector.shape_cast %concatenate3A_266 : vector<4x2048x128xi32> to vector<8192x128xi32>
    %reshape3A_268 = vector.shape_cast %reshape3A_267 : vector<8192x128xi32> to vector<4x2048x128xi32>
    %slice3A_269 = vector.extract_strided_slice %reshape3A_268 {offsets = [0, 0, 0], sizes = [4, 1024, 128], strides = [1, 1, 1]} : vector<4x2048x128xi32> to vector<4x1024x128xi32>
    %reshape3A_270 = vector.shape_cast %slice3A_269 : vector<4x1024x128xi32> to vector<64x64x128xi32>
    %slice3A_271 = vector.extract_strided_slice %reshape3A_270 {offsets = [0, 0, 0], sizes = [64, 32, 128], strides = [1, 1, 1]} : vector<64x64x128xi32> to vector<64x32x128xi32>
    %slice3A_272 = vector.extract_strided_slice %reshape3A_270 {offsets = [0, 32, 0], sizes = [64, 32, 128], strides = [1, 1, 1]} : vector<64x64x128xi32> to vector<64x32x128xi32>
    %min3A_273 = arith.minsi %slice3A_271, %slice3A_272 : vector<64x32x128xi32>
    %max3A_274 = arith.maxsi %slice3A_271, %slice3A_272 : vector<64x32x128xi32>
    %concatenate3A_275 = tpu.concatenate %min3A_273, %max3A_274 in 1 : vector<64x32x128xi32>, vector<64x32x128xi32> -> vector<64x64x128xi32>
    %reshape3A_276 = vector.shape_cast %concatenate3A_275 : vector<64x64x128xi32> to vector<4x1024x128xi32>
    %slice3A_277 = vector.extract_strided_slice %reshape3A_268 {offsets = [0, 1024, 0], sizes = [4, 1024, 128], strides = [1, 1, 1]} : vector<4x2048x128xi32> to vector<4x1024x128xi32>
    %reshape3A_278 = vector.shape_cast %slice3A_277 : vector<4x1024x128xi32> to vector<64x64x128xi32>
    %slice3A_279 = vector.extract_strided_slice %reshape3A_278 {offsets = [0, 0, 0], sizes = [64, 32, 128], strides = [1, 1, 1]} : vector<64x64x128xi32> to vector<64x32x128xi32>
    %slice3A_280 = vector.extract_strided_slice %reshape3A_278 {offsets = [0, 32, 0], sizes = [64, 32, 128], strides = [1, 1, 1]} : vector<64x64x128xi32> to vector<64x32x128xi32>
    %min3A_281 = arith.minsi %slice3A_279, %slice3A_280 : vector<64x32x128xi32>
    %max3A_282 = arith.maxsi %slice3A_279, %slice3A_280 : vector<64x32x128xi32>
    %concatenate3A_283 = tpu.concatenate %max3A_282, %min3A_281 in 1 : vector<64x32x128xi32>, vector<64x32x128xi32> -> vector<64x64x128xi32>
    %reshape3A_284 = vector.shape_cast %concatenate3A_283 : vector<64x64x128xi32> to vector<4x1024x128xi32>
    %concatenate3A_285 = tpu.concatenate %reshape3A_276, %reshape3A_284 in 1 : vector<4x1024x128xi32>, vector<4x1024x128xi32> -> vector<4x2048x128xi32>
    %reshape3A_286 = vector.shape_cast %concatenate3A_285 : vector<4x2048x128xi32> to vector<8192x128xi32>
    %reshape3A_287 = vector.shape_cast %reshape3A_286 : vector<8192x128xi32> to vector<2x4096x128xi32>
    %slice3A_288 = vector.extract_strided_slice %reshape3A_287 {offsets = [0, 0, 0], sizes = [2, 2048, 128], strides = [1, 1, 1]} : vector<2x4096x128xi32> to vector<2x2048x128xi32>
    %slice3A_289 = vector.extract_strided_slice %slice3A_288 {offsets = [0, 0, 0], sizes = [2, 1024, 128], strides = [1, 1, 1]} : vector<2x2048x128xi32> to vector<2x1024x128xi32>
    %slice3A_290 = vector.extract_strided_slice %slice3A_288 {offsets = [0, 1024, 0], sizes = [2, 1024, 128], strides = [1, 1, 1]} : vector<2x2048x128xi32> to vector<2x1024x128xi32>
    %min3A_291 = arith.minsi %slice3A_289, %slice3A_290 : vector<2x1024x128xi32>
    %max3A_292 = arith.maxsi %slice3A_289, %slice3A_290 : vector<2x1024x128xi32>
    %concatenate3A_293 = tpu.concatenate %min3A_291, %max3A_292 in 1 : vector<2x1024x128xi32>, vector<2x1024x128xi32> -> vector<2x2048x128xi32>
    %slice3A_294 = vector.extract_strided_slice %reshape3A_287 {offsets = [0, 2048, 0], sizes = [2, 2048, 128], strides = [1, 1, 1]} : vector<2x4096x128xi32> to vector<2x2048x128xi32>
    %slice3A_295 = vector.extract_strided_slice %slice3A_294 {offsets = [0, 0, 0], sizes = [2, 1024, 128], strides = [1, 1, 1]} : vector<2x2048x128xi32> to vector<2x1024x128xi32>
    %slice3A_296 = vector.extract_strided_slice %slice3A_294 {offsets = [0, 1024, 0], sizes = [2, 1024, 128], strides = [1, 1, 1]} : vector<2x2048x128xi32> to vector<2x1024x128xi32>
    %min3A_297 = arith.minsi %slice3A_295, %slice3A_296 : vector<2x1024x128xi32>
    %max3A_298 = arith.maxsi %slice3A_295, %slice3A_296 : vector<2x1024x128xi32>
    %concatenate3A_299 = tpu.concatenate %max3A_298, %min3A_297 in 1 : vector<2x1024x128xi32>, vector<2x1024x128xi32> -> vector<2x2048x128xi32>
    %concatenate3A_300 = tpu.concatenate %concatenate3A_293, %concatenate3A_299 in 1 : vector<2x2048x128xi32>, vector<2x2048x128xi32> -> vector<2x4096x128xi32>
    %reshape3A_301 = vector.shape_cast %concatenate3A_300 : vector<2x4096x128xi32> to vector<8192x128xi32>
    %reshape3A_302 = vector.shape_cast %reshape3A_301 : vector<8192x128xi32> to vector<2x4096x128xi32>
    %slice3A_303 = vector.extract_strided_slice %reshape3A_302 {offsets = [0, 0, 0], sizes = [2, 2048, 128], strides = [1, 1, 1]} : vector<2x4096x128xi32> to vector<2x2048x128xi32>
    %reshape3A_304 = vector.shape_cast %slice3A_303 : vector<2x2048x128xi32> to vector<4x1024x128xi32>
    %slice3A_305 = vector.extract_strided_slice %reshape3A_304 {offsets = [0, 0, 0], sizes = [4, 512, 128], strides = [1, 1, 1]} : vector<4x1024x128xi32> to vector<4x512x128xi32>
    %slice3A_306 = vector.extract_strided_slice %reshape3A_304 {offsets = [0, 512, 0], sizes = [4, 512, 128], strides = [1, 1, 1]} : vector<4x1024x128xi32> to vector<4x512x128xi32>
    %min3A_307 = arith.minsi %slice3A_305, %slice3A_306 : vector<4x512x128xi32>
    %max3A_308 = arith.maxsi %slice3A_305, %slice3A_306 : vector<4x512x128xi32>
    %concatenate3A_309 = tpu.concatenate %min3A_307, %max3A_308 in 1 : vector<4x512x128xi32>, vector<4x512x128xi32> -> vector<4x1024x128xi32>
    %reshape3A_310 = vector.shape_cast %concatenate3A_309 : vector<4x1024x128xi32> to vector<2x2048x128xi32>
    %slice3A_311 = vector.extract_strided_slice %reshape3A_302 {offsets = [0, 2048, 0], sizes = [2, 2048, 128], strides = [1, 1, 1]} : vector<2x4096x128xi32> to vector<2x2048x128xi32>
    %reshape3A_312 = vector.shape_cast %slice3A_311 : vector<2x2048x128xi32> to vector<4x1024x128xi32>
    %slice3A_313 = vector.extract_strided_slice %reshape3A_312 {offsets = [0, 0, 0], sizes = [4, 512, 128], strides = [1, 1, 1]} : vector<4x1024x128xi32> to vector<4x512x128xi32>
    %slice3A_314 = vector.extract_strided_slice %reshape3A_312 {offsets = [0, 512, 0], sizes = [4, 512, 128], strides = [1, 1, 1]} : vector<4x1024x128xi32> to vector<4x512x128xi32>
    %min3A_315 = arith.minsi %slice3A_313, %slice3A_314 : vector<4x512x128xi32>
    %max3A_316 = arith.maxsi %slice3A_313, %slice3A_314 : vector<4x512x128xi32>
    %concatenate3A_317 = tpu.concatenate %max3A_316, %min3A_315 in 1 : vector<4x512x128xi32>, vector<4x512x128xi32> -> vector<4x1024x128xi32>
    %reshape3A_318 = vector.shape_cast %concatenate3A_317 : vector<4x1024x128xi32> to vector<2x2048x128xi32>
    %concatenate3A_319 = tpu.concatenate %reshape3A_310, %reshape3A_318 in 1 : vector<2x2048x128xi32>, vector<2x2048x128xi32> -> vector<2x4096x128xi32>
    %reshape3A_320 = vector.shape_cast %concatenate3A_319 : vector<2x4096x128xi32> to vector<8192x128xi32>
    %reshape3A_321 = vector.shape_cast %reshape3A_320 : vector<8192x128xi32> to vector<2x4096x128xi32>
    %slice3A_322 = vector.extract_strided_slice %reshape3A_321 {offsets = [0, 0, 0], sizes = [2, 2048, 128], strides = [1, 1, 1]} : vector<2x4096x128xi32> to vector<2x2048x128xi32>
    %reshape3A_323 = vector.shape_cast %slice3A_322 : vector<2x2048x128xi32> to vector<8x512x128xi32>
    %slice3A_324 = vector.extract_strided_slice %reshape3A_323 {offsets = [0, 0, 0], sizes = [8, 256, 128], strides = [1, 1, 1]} : vector<8x512x128xi32> to vector<8x256x128xi32>
    %slice3A_325 = vector.extract_strided_slice %reshape3A_323 {offsets = [0, 256, 0], sizes = [8, 256, 128], strides = [1, 1, 1]} : vector<8x512x128xi32> to vector<8x256x128xi32>
    %min3A_326 = arith.minsi %slice3A_324, %slice3A_325 : vector<8x256x128xi32>
    %max3A_327 = arith.maxsi %slice3A_324, %slice3A_325 : vector<8x256x128xi32>
    %concatenate3A_328 = tpu.concatenate %min3A_326, %max3A_327 in 1 : vector<8x256x128xi32>, vector<8x256x128xi32> -> vector<8x512x128xi32>
    %reshape3A_329 = vector.shape_cast %concatenate3A_328 : vector<8x512x128xi32> to vector<2x2048x128xi32>
    %slice3A_330 = vector.extract_strided_slice %reshape3A_321 {offsets = [0, 2048, 0], sizes = [2, 2048, 128], strides = [1, 1, 1]} : vector<2x4096x128xi32> to vector<2x2048x128xi32>
    %reshape3A_331 = vector.shape_cast %slice3A_330 : vector<2x2048x128xi32> to vector<8x512x128xi32>
    %slice3A_332 = vector.extract_strided_slice %reshape3A_331 {offsets = [0, 0, 0], sizes = [8, 256, 128], strides = [1, 1, 1]} : vector<8x512x128xi32> to vector<8x256x128xi32>
    %slice3A_333 = vector.extract_strided_slice %reshape3A_331 {offsets = [0, 256, 0], sizes = [8, 256, 128], strides = [1, 1, 1]} : vector<8x512x128xi32> to vector<8x256x128xi32>
    %min3A_334 = arith.minsi %slice3A_332, %slice3A_333 : vector<8x256x128xi32>
    %max3A_335 = arith.maxsi %slice3A_332, %slice3A_333 : vector<8x256x128xi32>
    %concatenate3A_336 = tpu.concatenate %max3A_335, %min3A_334 in 1 : vector<8x256x128xi32>, vector<8x256x128xi32> -> vector<8x512x128xi32>
    %reshape3A_337 = vector.shape_cast %concatenate3A_336 : vector<8x512x128xi32> to vector<2x2048x128xi32>
    %concatenate3A_338 = tpu.concatenate %reshape3A_329, %reshape3A_337 in 1 : vector<2x2048x128xi32>, vector<2x2048x128xi32> -> vector<2x4096x128xi32>
    %reshape3A_339 = vector.shape_cast %concatenate3A_338 : vector<2x4096x128xi32> to vector<8192x128xi32>
    %reshape3A_340 = vector.shape_cast %reshape3A_339 : vector<8192x128xi32> to vector<2x4096x128xi32>
    %slice3A_341 = vector.extract_strided_slice %reshape3A_340 {offsets = [0, 0, 0], sizes = [2, 2048, 128], strides = [1, 1, 1]} : vector<2x4096x128xi32> to vector<2x2048x128xi32>
    %reshape3A_342 = vector.shape_cast %slice3A_341 : vector<2x2048x128xi32> to vector<16x256x128xi32>
    %slice3A_343 = vector.extract_strided_slice %reshape3A_342 {offsets = [0, 0, 0], sizes = [16, 128, 128], strides = [1, 1, 1]} : vector<16x256x128xi32> to vector<16x128x128xi32>
    %slice3A_344 = vector.extract_strided_slice %reshape3A_342 {offsets = [0, 128, 0], sizes = [16, 128, 128], strides = [1, 1, 1]} : vector<16x256x128xi32> to vector<16x128x128xi32>
    %min3A_345 = arith.minsi %slice3A_343, %slice3A_344 : vector<16x128x128xi32>
    %max3A_346 = arith.maxsi %slice3A_343, %slice3A_344 : vector<16x128x128xi32>
    %concatenate3A_347 = tpu.concatenate %min3A_345, %max3A_346 in 1 : vector<16x128x128xi32>, vector<16x128x128xi32> -> vector<16x256x128xi32>
    %reshape3A_348 = vector.shape_cast %concatenate3A_347 : vector<16x256x128xi32> to vector<2x2048x128xi32>
    %slice3A_349 = vector.extract_strided_slice %reshape3A_340 {offsets = [0, 2048, 0], sizes = [2, 2048, 128], strides = [1, 1, 1]} : vector<2x4096x128xi32> to vector<2x2048x128xi32>
    %reshape3A_350 = vector.shape_cast %slice3A_349 : vector<2x2048x128xi32> to vector<16x256x128xi32>
    %slice3A_351 = vector.extract_strided_slice %reshape3A_350 {offsets = [0, 0, 0], sizes = [16, 128, 128], strides = [1, 1, 1]} : vector<16x256x128xi32> to vector<16x128x128xi32>
    %slice3A_352 = vector.extract_strided_slice %reshape3A_350 {offsets = [0, 128, 0], sizes = [16, 128, 128], strides = [1, 1, 1]} : vector<16x256x128xi32> to vector<16x128x128xi32>
    %min3A_353 = arith.minsi %slice3A_351, %slice3A_352 : vector<16x128x128xi32>
    %max3A_354 = arith.maxsi %slice3A_351, %slice3A_352 : vector<16x128x128xi32>
    %concatenate3A_355 = tpu.concatenate %max3A_354, %min3A_353 in 1 : vector<16x128x128xi32>, vector<16x128x128xi32> -> vector<16x256x128xi32>
    %reshape3A_356 = vector.shape_cast %concatenate3A_355 : vector<16x256x128xi32> to vector<2x2048x128xi32>
    %concatenate3A_357 = tpu.concatenate %reshape3A_348, %reshape3A_356 in 1 : vector<2x2048x128xi32>, vector<2x2048x128xi32> -> vector<2x4096x128xi32>
    %reshape3A_358 = vector.shape_cast %concatenate3A_357 : vector<2x4096x128xi32> to vector<8192x128xi32>
    %reshape3A_359 = vector.shape_cast %reshape3A_358 : vector<8192x128xi32> to vector<2x4096x128xi32>
    %slice3A_360 = vector.extract_strided_slice %reshape3A_359 {offsets = [0, 0, 0], sizes = [2, 2048, 128], strides = [1, 1, 1]} : vector<2x4096x128xi32> to vector<2x2048x128xi32>
    %reshape3A_361 = vector.shape_cast %slice3A_360 : vector<2x2048x128xi32> to vector<32x128x128xi32>
    %slice3A_362 = vector.extract_strided_slice %reshape3A_361 {offsets = [0, 0, 0], sizes = [32, 64, 128], strides = [1, 1, 1]} : vector<32x128x128xi32> to vector<32x64x128xi32>
    %slice3A_363 = vector.extract_strided_slice %reshape3A_361 {offsets = [0, 64, 0], sizes = [32, 64, 128], strides = [1, 1, 1]} : vector<32x128x128xi32> to vector<32x64x128xi32>
    %min3A_364 = arith.minsi %slice3A_362, %slice3A_363 : vector<32x64x128xi32>
    %max3A_365 = arith.maxsi %slice3A_362, %slice3A_363 : vector<32x64x128xi32>
    %concatenate3A_366 = tpu.concatenate %min3A_364, %max3A_365 in 1 : vector<32x64x128xi32>, vector<32x64x128xi32> -> vector<32x128x128xi32>
    %reshape3A_367 = vector.shape_cast %concatenate3A_366 : vector<32x128x128xi32> to vector<2x2048x128xi32>
    %slice3A_368 = vector.extract_strided_slice %reshape3A_359 {offsets = [0, 2048, 0], sizes = [2, 2048, 128], strides = [1, 1, 1]} : vector<2x4096x128xi32> to vector<2x2048x128xi32>
    %reshape3A_369 = vector.shape_cast %slice3A_368 : vector<2x2048x128xi32> to vector<32x128x128xi32>
    %slice3A_370 = vector.extract_strided_slice %reshape3A_369 {offsets = [0, 0, 0], sizes = [32, 64, 128], strides = [1, 1, 1]} : vector<32x128x128xi32> to vector<32x64x128xi32>
    %slice3A_371 = vector.extract_strided_slice %reshape3A_369 {offsets = [0, 64, 0], sizes = [32, 64, 128], strides = [1, 1, 1]} : vector<32x128x128xi32> to vector<32x64x128xi32>
    %min3A_372 = arith.minsi %slice3A_370, %slice3A_371 : vector<32x64x128xi32>
    %max3A_373 = arith.maxsi %slice3A_370, %slice3A_371 : vector<32x64x128xi32>
    %concatenate3A_374 = tpu.concatenate %max3A_373, %min3A_372 in 1 : vector<32x64x128xi32>, vector<32x64x128xi32> -> vector<32x128x128xi32>
    %reshape3A_375 = vector.shape_cast %concatenate3A_374 : vector<32x128x128xi32> to vector<2x2048x128xi32>
    %concatenate3A_376 = tpu.concatenate %reshape3A_367, %reshape3A_375 in 1 : vector<2x2048x128xi32>, vector<2x2048x128xi32> -> vector<2x4096x128xi32>
    %reshape3A_377 = vector.shape_cast %concatenate3A_376 : vector<2x4096x128xi32> to vector<8192x128xi32>
    %reshape3A_378 = vector.shape_cast %reshape3A_377 : vector<8192x128xi32> to vector<2x4096x128xi32>
    %slice3A_379 = vector.extract_strided_slice %reshape3A_378 {offsets = [0, 0, 0], sizes = [2, 2048, 128], strides = [1, 1, 1]} : vector<2x4096x128xi32> to vector<2x2048x128xi32>
    %reshape3A_380 = vector.shape_cast %slice3A_379 : vector<2x2048x128xi32> to vector<64x64x128xi32>
    %slice3A_381 = vector.extract_strided_slice %reshape3A_380 {offsets = [0, 0, 0], sizes = [64, 32, 128], strides = [1, 1, 1]} : vector<64x64x128xi32> to vector<64x32x128xi32>
    %slice3A_382 = vector.extract_strided_slice %reshape3A_380 {offsets = [0, 32, 0], sizes = [64, 32, 128], strides = [1, 1, 1]} : vector<64x64x128xi32> to vector<64x32x128xi32>
    %min3A_383 = arith.minsi %slice3A_381, %slice3A_382 : vector<64x32x128xi32>
    %max3A_384 = arith.maxsi %slice3A_381, %slice3A_382 : vector<64x32x128xi32>
    %concatenate3A_385 = tpu.concatenate %min3A_383, %max3A_384 in 1 : vector<64x32x128xi32>, vector<64x32x128xi32> -> vector<64x64x128xi32>
    %reshape3A_386 = vector.shape_cast %concatenate3A_385 : vector<64x64x128xi32> to vector<2x2048x128xi32>
    %slice3A_387 = vector.extract_strided_slice %reshape3A_378 {offsets = [0, 2048, 0], sizes = [2, 2048, 128], strides = [1, 1, 1]} : vector<2x4096x128xi32> to vector<2x2048x128xi32>
    %reshape3A_388 = vector.shape_cast %slice3A_387 : vector<2x2048x128xi32> to vector<64x64x128xi32>
    %slice3A_389 = vector.extract_strided_slice %reshape3A_388 {offsets = [0, 0, 0], sizes = [64, 32, 128], strides = [1, 1, 1]} : vector<64x64x128xi32> to vector<64x32x128xi32>
    %slice3A_390 = vector.extract_strided_slice %reshape3A_388 {offsets = [0, 32, 0], sizes = [64, 32, 128], strides = [1, 1, 1]} : vector<64x64x128xi32> to vector<64x32x128xi32>
    %min3A_391 = arith.minsi %slice3A_389, %slice3A_390 : vector<64x32x128xi32>
    %max3A_392 = arith.maxsi %slice3A_389, %slice3A_390 : vector<64x32x128xi32>
    %concatenate3A_393 = tpu.concatenate %max3A_392, %min3A_391 in 1 : vector<64x32x128xi32>, vector<64x32x128xi32> -> vector<64x64x128xi32>
    %reshape3A_394 = vector.shape_cast %concatenate3A_393 : vector<64x64x128xi32> to vector<2x2048x128xi32>
    %concatenate3A_395 = tpu.concatenate %reshape3A_386, %reshape3A_394 in 1 : vector<2x2048x128xi32>, vector<2x2048x128xi32> -> vector<2x4096x128xi32>
    %reshape3A_396 = vector.shape_cast %concatenate3A_395 : vector<2x4096x128xi32> to vector<8192x128xi32>
    %reshape3A_397 = vector.shape_cast %reshape3A_396 : vector<8192x128xi32> to vector<1x8192x128xi32>
    %slice3A_398 = vector.extract_strided_slice %reshape3A_397 {offsets = [0, 0, 0], sizes = [1, 4096, 128], strides = [1, 1, 1]} : vector<1x8192x128xi32> to vector<1x4096x128xi32>
    %slice3A_399 = vector.extract_strided_slice %slice3A_398 {offsets = [0, 0, 0], sizes = [1, 2048, 128], strides = [1, 1, 1]} : vector<1x4096x128xi32> to vector<1x2048x128xi32>
    %slice3A_400 = vector.extract_strided_slice %slice3A_398 {offsets = [0, 2048, 0], sizes = [1, 2048, 128], strides = [1, 1, 1]} : vector<1x4096x128xi32> to vector<1x2048x128xi32>
    %min3A_401 = arith.minsi %slice3A_399, %slice3A_400 : vector<1x2048x128xi32>
    %max3A_402 = arith.maxsi %slice3A_399, %slice3A_400 : vector<1x2048x128xi32>
    %concatenate3A_403 = tpu.concatenate %min3A_401, %max3A_402 in 1 : vector<1x2048x128xi32>, vector<1x2048x128xi32> -> vector<1x4096x128xi32>
    %slice3A_404 = vector.extract_strided_slice %reshape3A_397 {offsets = [0, 4096, 0], sizes = [1, 4096, 128], strides = [1, 1, 1]} : vector<1x8192x128xi32> to vector<1x4096x128xi32>
    %slice3A_405 = vector.extract_strided_slice %slice3A_404 {offsets = [0, 0, 0], sizes = [1, 2048, 128], strides = [1, 1, 1]} : vector<1x4096x128xi32> to vector<1x2048x128xi32>
    %slice3A_406 = vector.extract_strided_slice %slice3A_404 {offsets = [0, 2048, 0], sizes = [1, 2048, 128], strides = [1, 1, 1]} : vector<1x4096x128xi32> to vector<1x2048x128xi32>
    %min3A_407 = arith.minsi %slice3A_405, %slice3A_406 : vector<1x2048x128xi32>
    %max3A_408 = arith.maxsi %slice3A_405, %slice3A_406 : vector<1x2048x128xi32>
    %concatenate3A_409 = tpu.concatenate %max3A_408, %min3A_407 in 1 : vector<1x2048x128xi32>, vector<1x2048x128xi32> -> vector<1x4096x128xi32>
    %concatenate3A_410 = tpu.concatenate %concatenate3A_403, %concatenate3A_409 in 1 : vector<1x4096x128xi32>, vector<1x4096x128xi32> -> vector<1x8192x128xi32>
    %reshape3A_411 = vector.shape_cast %concatenate3A_410 : vector<1x8192x128xi32> to vector<8192x128xi32>
    %reshape3A_412 = vector.shape_cast %reshape3A_411 : vector<8192x128xi32> to vector<1x8192x128xi32>
    %slice3A_413 = vector.extract_strided_slice %reshape3A_412 {offsets = [0, 0, 0], sizes = [1, 4096, 128], strides = [1, 1, 1]} : vector<1x8192x128xi32> to vector<1x4096x128xi32>
    %reshape3A_414 = vector.shape_cast %slice3A_413 : vector<1x4096x128xi32> to vector<2x2048x128xi32>
    %slice3A_415 = vector.extract_strided_slice %reshape3A_414 {offsets = [0, 0, 0], sizes = [2, 1024, 128], strides = [1, 1, 1]} : vector<2x2048x128xi32> to vector<2x1024x128xi32>
    %slice3A_416 = vector.extract_strided_slice %reshape3A_414 {offsets = [0, 1024, 0], sizes = [2, 1024, 128], strides = [1, 1, 1]} : vector<2x2048x128xi32> to vector<2x1024x128xi32>
    %min3A_417 = arith.minsi %slice3A_415, %slice3A_416 : vector<2x1024x128xi32>
    %max3A_418 = arith.maxsi %slice3A_415, %slice3A_416 : vector<2x1024x128xi32>
    %concatenate3A_419 = tpu.concatenate %min3A_417, %max3A_418 in 1 : vector<2x1024x128xi32>, vector<2x1024x128xi32> -> vector<2x2048x128xi32>
    %reshape3A_420 = vector.shape_cast %concatenate3A_419 : vector<2x2048x128xi32> to vector<1x4096x128xi32>
    %slice3A_421 = vector.extract_strided_slice %reshape3A_412 {offsets = [0, 4096, 0], sizes = [1, 4096, 128], strides = [1, 1, 1]} : vector<1x8192x128xi32> to vector<1x4096x128xi32>
    %reshape3A_422 = vector.shape_cast %slice3A_421 : vector<1x4096x128xi32> to vector<2x2048x128xi32>
    %slice3A_423 = vector.extract_strided_slice %reshape3A_422 {offsets = [0, 0, 0], sizes = [2, 1024, 128], strides = [1, 1, 1]} : vector<2x2048x128xi32> to vector<2x1024x128xi32>
    %slice3A_424 = vector.extract_strided_slice %reshape3A_422 {offsets = [0, 1024, 0], sizes = [2, 1024, 128], strides = [1, 1, 1]} : vector<2x2048x128xi32> to vector<2x1024x128xi32>
    %min3A_425 = arith.minsi %slice3A_423, %slice3A_424 : vector<2x1024x128xi32>
    %max3A_426 = arith.maxsi %slice3A_423, %slice3A_424 : vector<2x1024x128xi32>
    %concatenate3A_427 = tpu.concatenate %max3A_426, %min3A_425 in 1 : vector<2x1024x128xi32>, vector<2x1024x128xi32> -> vector<2x2048x128xi32>
    %reshape3A_428 = vector.shape_cast %concatenate3A_427 : vector<2x2048x128xi32> to vector<1x4096x128xi32>
    %concatenate3A_429 = tpu.concatenate %reshape3A_420, %reshape3A_428 in 1 : vector<1x4096x128xi32>, vector<1x4096x128xi32> -> vector<1x8192x128xi32>
    %reshape3A_430 = vector.shape_cast %concatenate3A_429 : vector<1x8192x128xi32> to vector<8192x128xi32>
    %reshape3A_431 = vector.shape_cast %reshape3A_430 : vector<8192x128xi32> to vector<1x8192x128xi32>
    %slice3A_432 = vector.extract_strided_slice %reshape3A_431 {offsets = [0, 0, 0], sizes = [1, 4096, 128], strides = [1, 1, 1]} : vector<1x8192x128xi32> to vector<1x4096x128xi32>
    %reshape3A_433 = vector.shape_cast %slice3A_432 : vector<1x4096x128xi32> to vector<4x1024x128xi32>
    %slice3A_434 = vector.extract_strided_slice %reshape3A_433 {offsets = [0, 0, 0], sizes = [4, 512, 128], strides = [1, 1, 1]} : vector<4x1024x128xi32> to vector<4x512x128xi32>
    %slice3A_435 = vector.extract_strided_slice %reshape3A_433 {offsets = [0, 512, 0], sizes = [4, 512, 128], strides = [1, 1, 1]} : vector<4x1024x128xi32> to vector<4x512x128xi32>
    %min3A_436 = arith.minsi %slice3A_434, %slice3A_435 : vector<4x512x128xi32>
    %max3A_437 = arith.maxsi %slice3A_434, %slice3A_435 : vector<4x512x128xi32>
    %concatenate3A_438 = tpu.concatenate %min3A_436, %max3A_437 in 1 : vector<4x512x128xi32>, vector<4x512x128xi32> -> vector<4x1024x128xi32>
    %reshape3A_439 = vector.shape_cast %concatenate3A_438 : vector<4x1024x128xi32> to vector<1x4096x128xi32>
    %slice3A_440 = vector.extract_strided_slice %reshape3A_431 {offsets = [0, 4096, 0], sizes = [1, 4096, 128], strides = [1, 1, 1]} : vector<1x8192x128xi32> to vector<1x4096x128xi32>
    %reshape3A_441 = vector.shape_cast %slice3A_440 : vector<1x4096x128xi32> to vector<4x1024x128xi32>
    %slice3A_442 = vector.extract_strided_slice %reshape3A_441 {offsets = [0, 0, 0], sizes = [4, 512, 128], strides = [1, 1, 1]} : vector<4x1024x128xi32> to vector<4x512x128xi32>
    %slice3A_443 = vector.extract_strided_slice %reshape3A_441 {offsets = [0, 512, 0], sizes = [4, 512, 128], strides = [1, 1, 1]} : vector<4x1024x128xi32> to vector<4x512x128xi32>
    %min3A_444 = arith.minsi %slice3A_442, %slice3A_443 : vector<4x512x128xi32>
    %max3A_445 = arith.maxsi %slice3A_442, %slice3A_443 : vector<4x512x128xi32>
    %concatenate3A_446 = tpu.concatenate %max3A_445, %min3A_444 in 1 : vector<4x512x128xi32>, vector<4x512x128xi32> -> vector<4x1024x128xi32>
    %reshape3A_447 = vector.shape_cast %concatenate3A_446 : vector<4x1024x128xi32> to vector<1x4096x128xi32>
    %concatenate3A_448 = tpu.concatenate %reshape3A_439, %reshape3A_447 in 1 : vector<1x4096x128xi32>, vector<1x4096x128xi32> -> vector<1x8192x128xi32>
    %reshape3A_449 = vector.shape_cast %concatenate3A_448 : vector<1x8192x128xi32> to vector<8192x128xi32>
    %reshape3A_450 = vector.shape_cast %reshape3A_449 : vector<8192x128xi32> to vector<1x8192x128xi32>
    %slice3A_451 = vector.extract_strided_slice %reshape3A_450 {offsets = [0, 0, 0], sizes = [1, 4096, 128], strides = [1, 1, 1]} : vector<1x8192x128xi32> to vector<1x4096x128xi32>
    %reshape3A_452 = vector.shape_cast %slice3A_451 : vector<1x4096x128xi32> to vector<8x512x128xi32>
    %slice3A_453 = vector.extract_strided_slice %reshape3A_452 {offsets = [0, 0, 0], sizes = [8, 256, 128], strides = [1, 1, 1]} : vector<8x512x128xi32> to vector<8x256x128xi32>
    %slice3A_454 = vector.extract_strided_slice %reshape3A_452 {offsets = [0, 256, 0], sizes = [8, 256, 128], strides = [1, 1, 1]} : vector<8x512x128xi32> to vector<8x256x128xi32>
    %min3A_455 = arith.minsi %slice3A_453, %slice3A_454 : vector<8x256x128xi32>
    %max3A_456 = arith.maxsi %slice3A_453, %slice3A_454 : vector<8x256x128xi32>
    %concatenate3A_457 = tpu.concatenate %min3A_455, %max3A_456 in 1 : vector<8x256x128xi32>, vector<8x256x128xi32> -> vector<8x512x128xi32>
    %reshape3A_458 = vector.shape_cast %concatenate3A_457 : vector<8x512x128xi32> to vector<1x4096x128xi32>
    %slice3A_459 = vector.extract_strided_slice %reshape3A_450 {offsets = [0, 4096, 0], sizes = [1, 4096, 128], strides = [1, 1, 1]} : vector<1x8192x128xi32> to vector<1x4096x128xi32>
    %reshape3A_460 = vector.shape_cast %slice3A_459 : vector<1x4096x128xi32> to vector<8x512x128xi32>
    %slice3A_461 = vector.extract_strided_slice %reshape3A_460 {offsets = [0, 0, 0], sizes = [8, 256, 128], strides = [1, 1, 1]} : vector<8x512x128xi32> to vector<8x256x128xi32>
    %slice3A_462 = vector.extract_strided_slice %reshape3A_460 {offsets = [0, 256, 0], sizes = [8, 256, 128], strides = [1, 1, 1]} : vector<8x512x128xi32> to vector<8x256x128xi32>
    %min3A_463 = arith.minsi %slice3A_461, %slice3A_462 : vector<8x256x128xi32>
    %max3A_464 = arith.maxsi %slice3A_461, %slice3A_462 : vector<8x256x128xi32>
    %concatenate3A_465 = tpu.concatenate %max3A_464, %min3A_463 in 1 : vector<8x256x128xi32>, vector<8x256x128xi32> -> vector<8x512x128xi32>
    %reshape3A_466 = vector.shape_cast %concatenate3A_465 : vector<8x512x128xi32> to vector<1x4096x128xi32>
    %concatenate3A_467 = tpu.concatenate %reshape3A_458, %reshape3A_466 in 1 : vector<1x4096x128xi32>, vector<1x4096x128xi32> -> vector<1x8192x128xi32>
    %reshape3A_468 = vector.shape_cast %concatenate3A_467 : vector<1x8192x128xi32> to vector<8192x128xi32>
    %reshape3A_469 = vector.shape_cast %reshape3A_468 : vector<8192x128xi32> to vector<1x8192x128xi32>
    %slice3A_470 = vector.extract_strided_slice %reshape3A_469 {offsets = [0, 0, 0], sizes = [1, 4096, 128], strides = [1, 1, 1]} : vector<1x8192x128xi32> to vector<1x4096x128xi32>
    %reshape3A_471 = vector.shape_cast %slice3A_470 : vector<1x4096x128xi32> to vector<16x256x128xi32>
    %slice3A_472 = vector.extract_strided_slice %reshape3A_471 {offsets = [0, 0, 0], sizes = [16, 128, 128], strides = [1, 1, 1]} : vector<16x256x128xi32> to vector<16x128x128xi32>
    %slice3A_473 = vector.extract_strided_slice %reshape3A_471 {offsets = [0, 128, 0], sizes = [16, 128, 128], strides = [1, 1, 1]} : vector<16x256x128xi32> to vector<16x128x128xi32>
    %min3A_474 = arith.minsi %slice3A_472, %slice3A_473 : vector<16x128x128xi32>
    %max3A_475 = arith.maxsi %slice3A_472, %slice3A_473 : vector<16x128x128xi32>
    %concatenate3A_476 = tpu.concatenate %min3A_474, %max3A_475 in 1 : vector<16x128x128xi32>, vector<16x128x128xi32> -> vector<16x256x128xi32>
    %reshape3A_477 = vector.shape_cast %concatenate3A_476 : vector<16x256x128xi32> to vector<1x4096x128xi32>
    %slice3A_478 = vector.extract_strided_slice %reshape3A_469 {offsets = [0, 4096, 0], sizes = [1, 4096, 128], strides = [1, 1, 1]} : vector<1x8192x128xi32> to vector<1x4096x128xi32>
    %reshape3A_479 = vector.shape_cast %slice3A_478 : vector<1x4096x128xi32> to vector<16x256x128xi32>
    %slice3A_480 = vector.extract_strided_slice %reshape3A_479 {offsets = [0, 0, 0], sizes = [16, 128, 128], strides = [1, 1, 1]} : vector<16x256x128xi32> to vector<16x128x128xi32>
    %slice3A_481 = vector.extract_strided_slice %reshape3A_479 {offsets = [0, 128, 0], sizes = [16, 128, 128], strides = [1, 1, 1]} : vector<16x256x128xi32> to vector<16x128x128xi32>
    %min3A_482 = arith.minsi %slice3A_480, %slice3A_481 : vector<16x128x128xi32>
    %max3A_483 = arith.maxsi %slice3A_480, %slice3A_481 : vector<16x128x128xi32>
    %concatenate3A_484 = tpu.concatenate %max3A_483, %min3A_482 in 1 : vector<16x128x128xi32>, vector<16x128x128xi32> -> vector<16x256x128xi32>
    %reshape3A_485 = vector.shape_cast %concatenate3A_484 : vector<16x256x128xi32> to vector<1x4096x128xi32>
    %concatenate3A_486 = tpu.concatenate %reshape3A_477, %reshape3A_485 in 1 : vector<1x4096x128xi32>, vector<1x4096x128xi32> -> vector<1x8192x128xi32>
    %reshape3A_487 = vector.shape_cast %concatenate3A_486 : vector<1x8192x128xi32> to vector<8192x128xi32>
    %reshape3A_488 = vector.shape_cast %reshape3A_487 : vector<8192x128xi32> to vector<1x8192x128xi32>
    %slice3A_489 = vector.extract_strided_slice %reshape3A_488 {offsets = [0, 0, 0], sizes = [1, 4096, 128], strides = [1, 1, 1]} : vector<1x8192x128xi32> to vector<1x4096x128xi32>
    %reshape3A_490 = vector.shape_cast %slice3A_489 : vector<1x4096x128xi32> to vector<32x128x128xi32>
    %slice3A_491 = vector.extract_strided_slice %reshape3A_490 {offsets = [0, 0, 0], sizes = [32, 64, 128], strides = [1, 1, 1]} : vector<32x128x128xi32> to vector<32x64x128xi32>
    %slice3A_492 = vector.extract_strided_slice %reshape3A_490 {offsets = [0, 64, 0], sizes = [32, 64, 128], strides = [1, 1, 1]} : vector<32x128x128xi32> to vector<32x64x128xi32>
    %min3A_493 = arith.minsi %slice3A_491, %slice3A_492 : vector<32x64x128xi32>
    %max3A_494 = arith.maxsi %slice3A_491, %slice3A_492 : vector<32x64x128xi32>
    %concatenate3A_495 = tpu.concatenate %min3A_493, %max3A_494 in 1 : vector<32x64x128xi32>, vector<32x64x128xi32> -> vector<32x128x128xi32>
    %reshape3A_496 = vector.shape_cast %concatenate3A_495 : vector<32x128x128xi32> to vector<1x4096x128xi32>
    %slice3A_497 = vector.extract_strided_slice %reshape3A_488 {offsets = [0, 4096, 0], sizes = [1, 4096, 128], strides = [1, 1, 1]} : vector<1x8192x128xi32> to vector<1x4096x128xi32>
    %reshape3A_498 = vector.shape_cast %slice3A_497 : vector<1x4096x128xi32> to vector<32x128x128xi32>
    %slice3A_499 = vector.extract_strided_slice %reshape3A_498 {offsets = [0, 0, 0], sizes = [32, 64, 128], strides = [1, 1, 1]} : vector<32x128x128xi32> to vector<32x64x128xi32>
    %slice3A_500 = vector.extract_strided_slice %reshape3A_498 {offsets = [0, 64, 0], sizes = [32, 64, 128], strides = [1, 1, 1]} : vector<32x128x128xi32> to vector<32x64x128xi32>
    %min3A_501 = arith.minsi %slice3A_499, %slice3A_500 : vector<32x64x128xi32>
    %max3A_502 = arith.maxsi %slice3A_499, %slice3A_500 : vector<32x64x128xi32>
    %concatenate3A_503 = tpu.concatenate %max3A_502, %min3A_501 in 1 : vector<32x64x128xi32>, vector<32x64x128xi32> -> vector<32x128x128xi32>
    %reshape3A_504 = vector.shape_cast %concatenate3A_503 : vector<32x128x128xi32> to vector<1x4096x128xi32>
    %concatenate3A_505 = tpu.concatenate %reshape3A_496, %reshape3A_504 in 1 : vector<1x4096x128xi32>, vector<1x4096x128xi32> -> vector<1x8192x128xi32>
    %reshape3A_506 = vector.shape_cast %concatenate3A_505 : vector<1x8192x128xi32> to vector<8192x128xi32>
    %reshape3A_507 = vector.shape_cast %reshape3A_506 : vector<8192x128xi32> to vector<1x8192x128xi32>
    %slice3A_508 = vector.extract_strided_slice %reshape3A_507 {offsets = [0, 0, 0], sizes = [1, 4096, 128], strides = [1, 1, 1]} : vector<1x8192x128xi32> to vector<1x4096x128xi32>
    %reshape3A_509 = vector.shape_cast %slice3A_508 : vector<1x4096x128xi32> to vector<64x64x128xi32>
    %slice3A_510 = vector.extract_strided_slice %reshape3A_509 {offsets = [0, 0, 0], sizes = [64, 32, 128], strides = [1, 1, 1]} : vector<64x64x128xi32> to vector<64x32x128xi32>
    %slice3A_511 = vector.extract_strided_slice %reshape3A_509 {offsets = [0, 32, 0], sizes = [64, 32, 128], strides = [1, 1, 1]} : vector<64x64x128xi32> to vector<64x32x128xi32>
    %min3A_512 = arith.minsi %slice3A_510, %slice3A_511 : vector<64x32x128xi32>
    %max3A_513 = arith.maxsi %slice3A_510, %slice3A_511 : vector<64x32x128xi32>
    %concatenate3A_514 = tpu.concatenate %min3A_512, %max3A_513 in 1 : vector<64x32x128xi32>, vector<64x32x128xi32> -> vector<64x64x128xi32>
    %reshape3A_515 = vector.shape_cast %concatenate3A_514 : vector<64x64x128xi32> to vector<1x4096x128xi32>
    %slice3A_516 = vector.extract_strided_slice %reshape3A_507 {offsets = [0, 4096, 0], sizes = [1, 4096, 128], strides = [1, 1, 1]} : vector<1x8192x128xi32> to vector<1x4096x128xi32>
    %reshape3A_517 = vector.shape_cast %slice3A_516 : vector<1x4096x128xi32> to vector<64x64x128xi32>
    %slice3A_518 = vector.extract_strided_slice %reshape3A_517 {offsets = [0, 0, 0], sizes = [64, 32, 128], strides = [1, 1, 1]} : vector<64x64x128xi32> to vector<64x32x128xi32>
    %slice3A_519 = vector.extract_strided_slice %reshape3A_517 {offsets = [0, 32, 0], sizes = [64, 32, 128], strides = [1, 1, 1]} : vector<64x64x128xi32> to vector<64x32x128xi32>
    %min3A_520 = arith.minsi %slice3A_518, %slice3A_519 : vector<64x32x128xi32>
    %max3A_521 = arith.maxsi %slice3A_518, %slice3A_519 : vector<64x32x128xi32>
    %concatenate3A_522 = tpu.concatenate %max3A_521, %min3A_520 in 1 : vector<64x32x128xi32>, vector<64x32x128xi32> -> vector<64x64x128xi32>
    %reshape3A_523 = vector.shape_cast %concatenate3A_522 : vector<64x64x128xi32> to vector<1x4096x128xi32>
    %concatenate3A_524 = tpu.concatenate %reshape3A_515, %reshape3A_523 in 1 : vector<1x4096x128xi32>, vector<1x4096x128xi32> -> vector<1x8192x128xi32>
    %reshape3A_525 = vector.shape_cast %concatenate3A_524 : vector<1x8192x128xi32> to vector<8192x128xi32>
    %reshape3A_526 = vector.shape_cast %reshape3A_525 : vector<8192x128xi32> to vector<1x8192x128xi32>
    %slice3A_527 = vector.extract_strided_slice %reshape3A_526 {offsets = [0, 0, 0], sizes = [1, 4096, 128], strides = [1, 1, 1]} : vector<1x8192x128xi32> to vector<1x4096x128xi32>
    %slice3A_528 = vector.extract_strided_slice %reshape3A_526 {offsets = [0, 4096, 0], sizes = [1, 4096, 128], strides = [1, 1, 1]} : vector<1x8192x128xi32> to vector<1x4096x128xi32>
    %min3A_529 = arith.minsi %slice3A_527, %slice3A_528 : vector<1x4096x128xi32>
    %max3A_530 = arith.maxsi %slice3A_527, %slice3A_528 : vector<1x4096x128xi32>
    %concatenate3A_531 = tpu.concatenate %min3A_529, %max3A_530 in 1 : vector<1x4096x128xi32>, vector<1x4096x128xi32> -> vector<1x8192x128xi32>
    %reshape3A_532 = vector.shape_cast %concatenate3A_531 : vector<1x8192x128xi32> to vector<8192x128xi32>
    %reshape3A_533 = vector.shape_cast %reshape3A_532 : vector<8192x128xi32> to vector<1x8192x128xi32>
    %reshape3A_534 = vector.shape_cast %reshape3A_533 : vector<1x8192x128xi32> to vector<2x4096x128xi32>
    %slice3A_535 = vector.extract_strided_slice %reshape3A_534 {offsets = [0, 0, 0], sizes = [2, 2048, 128], strides = [1, 1, 1]} : vector<2x4096x128xi32> to vector<2x2048x128xi32>
    %slice3A_536 = vector.extract_strided_slice %reshape3A_534 {offsets = [0, 2048, 0], sizes = [2, 2048, 128], strides = [1, 1, 1]} : vector<2x4096x128xi32> to vector<2x2048x128xi32>
    %min3A_537 = arith.minsi %slice3A_535, %slice3A_536 : vector<2x2048x128xi32>
    %max3A_538 = arith.maxsi %slice3A_535, %slice3A_536 : vector<2x2048x128xi32>
    %concatenate3A_539 = tpu.concatenate %min3A_537, %max3A_538 in 1 : vector<2x2048x128xi32>, vector<2x2048x128xi32> -> vector<2x4096x128xi32>
    %reshape3A_540 = vector.shape_cast %concatenate3A_539 : vector<2x4096x128xi32> to vector<1x8192x128xi32>
    %reshape3A_541 = vector.shape_cast %reshape3A_540 : vector<1x8192x128xi32> to vector<8192x128xi32>
    %reshape3A_542 = vector.shape_cast %reshape3A_541 : vector<8192x128xi32> to vector<1x8192x128xi32>
    %reshape3A_543 = vector.shape_cast %reshape3A_542 : vector<1x8192x128xi32> to vector<4x2048x128xi32>
    %slice3A_544 = vector.extract_strided_slice %reshape3A_543 {offsets = [0, 0, 0], sizes = [4, 1024, 128], strides = [1, 1, 1]} : vector<4x2048x128xi32> to vector<4x1024x128xi32>
    %slice3A_545 = vector.extract_strided_slice %reshape3A_543 {offsets = [0, 1024, 0], sizes = [4, 1024, 128], strides = [1, 1, 1]} : vector<4x2048x128xi32> to vector<4x1024x128xi32>
    %min3A_546 = arith.minsi %slice3A_544, %slice3A_545 : vector<4x1024x128xi32>
    %max3A_547 = arith.maxsi %slice3A_544, %slice3A_545 : vector<4x1024x128xi32>
    %concatenate3A_548 = tpu.concatenate %min3A_546, %max3A_547 in 1 : vector<4x1024x128xi32>, vector<4x1024x128xi32> -> vector<4x2048x128xi32>
    %reshape3A_549 = vector.shape_cast %concatenate3A_548 : vector<4x2048x128xi32> to vector<1x8192x128xi32>
    %reshape3A_550 = vector.shape_cast %reshape3A_549 : vector<1x8192x128xi32> to vector<8192x128xi32>
    %reshape3A_551 = vector.shape_cast %reshape3A_550 : vector<8192x128xi32> to vector<1x8192x128xi32>
    %reshape3A_552 = vector.shape_cast %reshape3A_551 : vector<1x8192x128xi32> to vector<8x1024x128xi32>
    %slice3A_553 = vector.extract_strided_slice %reshape3A_552 {offsets = [0, 0, 0], sizes = [8, 512, 128], strides = [1, 1, 1]} : vector<8x1024x128xi32> to vector<8x512x128xi32>
    %slice3A_554 = vector.extract_strided_slice %reshape3A_552 {offsets = [0, 512, 0], sizes = [8, 512, 128], strides = [1, 1, 1]} : vector<8x1024x128xi32> to vector<8x512x128xi32>
    %min3A_555 = arith.minsi %slice3A_553, %slice3A_554 : vector<8x512x128xi32>
    %max3A_556 = arith.maxsi %slice3A_553, %slice3A_554 : vector<8x512x128xi32>
    %concatenate3A_557 = tpu.concatenate %min3A_555, %max3A_556 in 1 : vector<8x512x128xi32>, vector<8x512x128xi32> -> vector<8x1024x128xi32>
    %reshape3A_558 = vector.shape_cast %concatenate3A_557 : vector<8x1024x128xi32> to vector<1x8192x128xi32>
    %reshape3A_559 = vector.shape_cast %reshape3A_558 : vector<1x8192x128xi32> to vector<8192x128xi32>
    %reshape3A_560 = vector.shape_cast %reshape3A_559 : vector<8192x128xi32> to vector<1x8192x128xi32>
    %reshape3A_561 = vector.shape_cast %reshape3A_560 : vector<1x8192x128xi32> to vector<16x512x128xi32>
    %slice3A_562 = vector.extract_strided_slice %reshape3A_561 {offsets = [0, 0, 0], sizes = [16, 256, 128], strides = [1, 1, 1]} : vector<16x512x128xi32> to vector<16x256x128xi32>
    %slice3A_563 = vector.extract_strided_slice %reshape3A_561 {offsets = [0, 256, 0], sizes = [16, 256, 128], strides = [1, 1, 1]} : vector<16x512x128xi32> to vector<16x256x128xi32>
    %min3A_564 = arith.minsi %slice3A_562, %slice3A_563 : vector<16x256x128xi32>
    %max3A_565 = arith.maxsi %slice3A_562, %slice3A_563 : vector<16x256x128xi32>
    %concatenate3A_566 = tpu.concatenate %min3A_564, %max3A_565 in 1 : vector<16x256x128xi32>, vector<16x256x128xi32> -> vector<16x512x128xi32>
    %reshape3A_567 = vector.shape_cast %concatenate3A_566 : vector<16x512x128xi32> to vector<1x8192x128xi32>
    %reshape3A_568 = vector.shape_cast %reshape3A_567 : vector<1x8192x128xi32> to vector<8192x128xi32>
    %reshape3A_569 = vector.shape_cast %reshape3A_568 : vector<8192x128xi32> to vector<1x8192x128xi32>
    %reshape3A_570 = vector.shape_cast %reshape3A_569 : vector<1x8192x128xi32> to vector<32x256x128xi32>
    %slice3A_571 = vector.extract_strided_slice %reshape3A_570 {offsets = [0, 0, 0], sizes = [32, 128, 128], strides = [1, 1, 1]} : vector<32x256x128xi32> to vector<32x128x128xi32>
    %slice3A_572 = vector.extract_strided_slice %reshape3A_570 {offsets = [0, 128, 0], sizes = [32, 128, 128], strides = [1, 1, 1]} : vector<32x256x128xi32> to vector<32x128x128xi32>
    %min3A_573 = arith.minsi %slice3A_571, %slice3A_572 : vector<32x128x128xi32>
    %max3A_574 = arith.maxsi %slice3A_571, %slice3A_572 : vector<32x128x128xi32>
    %concatenate3A_575 = tpu.concatenate %min3A_573, %max3A_574 in 1 : vector<32x128x128xi32>, vector<32x128x128xi32> -> vector<32x256x128xi32>
    %reshape3A_576 = vector.shape_cast %concatenate3A_575 : vector<32x256x128xi32> to vector<1x8192x128xi32>
    %reshape3A_577 = vector.shape_cast %reshape3A_576 : vector<1x8192x128xi32> to vector<8192x128xi32>
    %reshape3A_578 = vector.shape_cast %reshape3A_577 : vector<8192x128xi32> to vector<1x8192x128xi32>
    %reshape3A_579 = vector.shape_cast %reshape3A_578 : vector<1x8192x128xi32> to vector<64x128x128xi32>
    %slice3A_580 = vector.extract_strided_slice %reshape3A_579 {offsets = [0, 0, 0], sizes = [64, 64, 128], strides = [1, 1, 1]} : vector<64x128x128xi32> to vector<64x64x128xi32>
    %slice3A_581 = vector.extract_strided_slice %reshape3A_579 {offsets = [0, 64, 0], sizes = [64, 64, 128], strides = [1, 1, 1]} : vector<64x128x128xi32> to vector<64x64x128xi32>
    %min3A_582 = arith.minsi %slice3A_580, %slice3A_581 : vector<64x64x128xi32>
    %max3A_583 = arith.maxsi %slice3A_580, %slice3A_581 : vector<64x64x128xi32>
    %concatenate3A_584 = tpu.concatenate %min3A_582, %max3A_583 in 1 : vector<64x64x128xi32>, vector<64x64x128xi32> -> vector<64x128x128xi32>
    %reshape3A_585 = vector.shape_cast %concatenate3A_584 : vector<64x128x128xi32> to vector<1x8192x128xi32>
    %reshape3A_586 = vector.shape_cast %reshape3A_585 : vector<1x8192x128xi32> to vector<8192x128xi32>
    %reshape3A_587 = vector.shape_cast %reshape3A_586 : vector<8192x128xi32> to vector<1x8192x128xi32>
    %reshape3A_588 = vector.shape_cast %reshape3A_587 : vector<1x8192x128xi32> to vector<128x64x128xi32>
    %slice3A_589 = vector.extract_strided_slice %reshape3A_588 {offsets = [0, 0, 0], sizes = [128, 32, 128], strides = [1, 1, 1]} : vector<128x64x128xi32> to vector<128x32x128xi32>
    %slice3A_590 = vector.extract_strided_slice %reshape3A_588 {offsets = [0, 32, 0], sizes = [128, 32, 128], strides = [1, 1, 1]} : vector<128x64x128xi32> to vector<128x32x128xi32>
    %min3A_591 = arith.minsi %slice3A_589, %slice3A_590 : vector<128x32x128xi32>
    %max3A_592 = arith.maxsi %slice3A_589, %slice3A_590 : vector<128x32x128xi32>
    %concatenate3A_593 = tpu.concatenate %min3A_591, %max3A_592 in 1 : vector<128x32x128xi32>, vector<128x32x128xi32> -> vector<128x64x128xi32>
    %reshape3A_594 = vector.shape_cast %concatenate3A_593 : vector<128x64x128xi32> to vector<1x8192x128xi32>
    %reshape3A_595 = vector.shape_cast %reshape3A_594 : vector<1x8192x128xi32> to vector<8192x128xi32>
    %reshape3A_596 = vector.shape_cast %reshape3A_595 : vector<8192x128xi32> to vector<256x32x128xi32>
    %slice3A_597 = vector.extract_strided_slice %reshape3A_596 {offsets = [1, 0, 0], sizes = [199, 32, 128], strides = [1, 1, 1]} : vector<256x32x128xi32> to vector<199x32x128xi32>
    %slice3A_598 = vector.extract_strided_slice %reshape3A_596 {offsets = [0, 0, 0], sizes = [199, 32, 128], strides = [1, 1, 1]} : vector<256x32x128xi32> to vector<199x32x128xi32>
    %ne3A = arith.cmpi ne, %slice3A_597, %slice3A_598 : vector<199x32x128xi32>
    %convert_element_type3A = arith.extui %ne3A : vector<199x32x128xi1> to vector<199x32x128xi32>
    %convert_element_type3A_599 = arith.sitofp %convert_element_type3A : vector<199x32x128xi32> to vector<199x32x128xf32>
    %reduce_sum3A = arith.constant dense<0.000000e+00> : vector<32x128xf32>
    %reduce_sum3A_600 = vector.multi_reduction <add>, %convert_element_type3A_599, %reduce_sum3A [0] : vector<199x32x128xf32> to vector<32x128xf32>
    %add3A = arith.constant 1.000000e+00 : f32
    %add3A_601 = vector.broadcast %add3A : f32 to vector<32x128xf32>
    %add3A_602 = arith.addf %add3A_601, %reduce_sum3A_600 : vector<32x128xf32>
    %reshape3A_603 = vector.shape_cast %add3A_602 : vector<32x128xf32> to vector<4x8x128xf32>
    %reduce_sum3A_604 = arith.constant dense<0.000000e+00> : vector<8x128xf32>
    %reduce_sum3A_605 = vector.multi_reduction <add>, %reshape3A_603, %reduce_sum3A_604 [0] : vector<4x8x128xf32> to vector<8x128xf32>
    %mul3A = arith.constant -2.500000e-01 : f32
    %mul3A_606 = vector.broadcast %mul3A : f32 to vector<8x128xf32>
    %mul3A_607 = arith.mulf %mul3A_606, %reduce_sum3A_605 : vector<8x128xf32>
    %swap3A = arith.constant 0 : index
    %swap3A_608 = arith.constant 0 : index
    %swap3A_609 = arith.constant 0 : index
    %swap3A_610 = vector.load %arg5[%swap3A, %swap3A_608, %swap3A_609] : memref<1x8x128xf32, #tpu.memory_space<vmem>>, vector<1x8x128xf32>
    %swap3A_611 = vector.shape_cast %swap3A_610 : vector<1x8x128xf32> to vector<8x128xf32>
    %swap3A_612 = vector.shape_cast %mul3A_607 : vector<8x128xf32> to vector<1x8x128xf32>
    tpu.vector_store %arg5[%swap3A, %swap3A_608, %swap3A_609], %swap3A_612 {strides = array<i32>} : memref<1x8x128xf32, #tpu.memory_space<vmem>>, vector<1x8x128xf32>,
    return
  }
  func.func @transform_0(%arg0: i32) -> (i32, i32, i32, i32) {
    %add3A = arith.constant 0 : i32
    %add3A_0 = arith.addi %add3A, %arg0 : i32
    %c0_i32 = arith.constant 0 : i32
    %c0_i32_1 = arith.constant 0 : i32
    %c0_i32_2 = arith.constant 0 : i32
    %c0_i32_3 = arith.constant 0 : i32
    return %c0_i32, %add3A_0, %c0_i32_1, %c0_i32_2 : i32, i32, i32, i32
  }
  func.func @transform_1(%arg0: i32) -> (i32, i32, i32, i32) {
    %add3A = arith.constant 16 : i32
    %add3A_0 = arith.addi %add3A, %arg0 : i32
    %c0_i32 = arith.constant 0 : i32
    %c0_i32_1 = arith.constant 0 : i32
    %c0_i32_2 = arith.constant 0 : i32
    %c0_i32_3 = arith.constant 0 : i32
    return %c0_i32, %add3A_0, %c0_i32_1, %c0_i32_2 : i32, i32, i32, i32
  }
  func.func @transform_2(%arg0: i32) -> (i32, i32, i32, i32) {
    %add3A = arith.constant 32 : i32
    %add3A_0 = arith.addi %add3A, %arg0 : i32
    %c0_i32 = arith.constant 0 : i32
    %c0_i32_1 = arith.constant 0 : i32
    %c0_i32_2 = arith.constant 0 : i32
    %c0_i32_3 = arith.constant 0 : i32
    return %c0_i32, %add3A_0, %c0_i32_1, %c0_i32_2 : i32, i32, i32, i32
  }
  func.func @transform_3(%arg0: i32) -> (i32, i32, i32, i32) {
    %add3A = arith.constant 48 : i32
    %add3A_0 = arith.addi %add3A, %arg0 : i32
    %c0_i32 = arith.constant 0 : i32
    %c0_i32_1 = arith.constant 0 : i32
    %c0_i32_2 = arith.constant 0 : i32
    %c0_i32_3 = arith.constant 0 : i32
    return %c0_i32, %add3A_0, %c0_i32_1, %c0_i32_2 : i32, i32, i32, i32
  }
  func.func @transform_4(%arg0: i32) -> (i32, i32, i32) {
    %c0_i32 = arith.constant 0 : i32
    %c0_i32_0 = arith.constant 0 : i32
    %c0_i32_1 = arith.constant 0 : i32
    return %arg0, %c0_i32, %c0_i32_0 : i32, i32, i32
  }
}

</mosaic_0001>

<sc_bundles>
// kernel: sparse-core-data-format-call.1.cloned.1.call-start
scs
called_computation.1_lowered:
.L_overlay_start_0:
0x0: {  	s2 =	sld [smem:$0x3FD9]  }
0x1: {  	s3 =	sld [smem:$0x3FFE];
	_ =	sdelay $0x1  }
0x2: {  	s1 =	srdreg.scid  }
0x3: {  	s0 =	sand.u32 $0x1, s1  }
0x4: {  	s18 =	sshll.u32 s0, $0xA;
	s2 =	sadd.s32 s3, s2  }
0x5: {  	s2 =	sadd.s32 s2, s18  }
0x6: {  	[smem:$0x3FC7] =	sst s2  }
0x7: {  	_ = 	snop  }
0x8: {  	s2 =	sld [smem:$0x3FC9];
	(tm) =	ssettm $0x1  }
0x9: {  	s19 =	sld [smem:$0x3FFB];
	_ =	sdelay $0x3  }
0xa: {  	_ =	strace s19  }
0xb: {  	s3 =	sld [smem:$0x3FFC];
	_ =	sdelay $0x3  }
0xc: {  	_ =	strace s3  }
0xd: {  	s3 =	sld [smem:$0x3FFD];
	_ =	sdelay $0x3  }
0xe: {  	_ =	strace s3  }
0xf: {  	_ =	strace $0x8FFFFFFF  }
0x10: {  	s20 =	sld [smem:$0x3FDB];
	_ =	sdelay $0x1  }
0x11: {  	s4 =	simm.s32 $_scs_section_size  }
0x12: {  	s5 =	simm.s32 $_size__tile_overlayer_lowered;
	s6 =	simm.s32 $_tile_overlayer_lowered  }
0x13: {  	s23 =	simm.s32 $0x1BFF;
	s22 =	sshll.u32 s6, $0x1;
	s3 =	sadd.s32 s4, s20  }
0x14: {  	s7 =	simm.s32 $0x0;
	s21 =	sshll.u32 s5, $0x1;
	s5 =	sadd.s32 s22, s3  }
0x15: {  	[timem:s7], [sflag:s23] =	dma.local [hbm:s5], s21  }
0x16: {  	_ =	swait.ge [sflag:s23], s21  }
0x17: {  	s4 =	ssub.s32 $0x0, s21;
	[sflag:s23] =	ssyncset.done $0x0  }
0x18: {  	[sflag:s23] =	ssyncadd.s32 s4;
	_ =	sdelay $0x1  }
0x19: {  	s24 =	simm.s32 $0x1B8B  }
0x1a: {  	_ =	swait.ge [sflag:s24], $0x1  }
0x1b: {  	[sflag:s24] =	ssyncset.done $0x0  }
0x1c: {  	s26 =	simm.s32 $0x1B8E;
	s25 =	sld [smem:$0x3FFE];
	[sflag:s24] =	ssyncadd.s32 $0xFFFFFFFF  }
0x1d: {  	s27 =	simm.s32 $execute0_lowered;
	[smem:$0x3FD2] =	sst s26  }
0x1e: {  	s5 =	sshll.u32 s27, $0x1;
	_ =	strace $0x80000046;
	[dreg:$0x1] =	wrdreg $0xFFFFFFFF  }
0x1f: {  	s28 =	simm.s32 $_size_execute0_lowered;
	s3 =	sadd.s32 s3, s5;
	[dreg:$0x0] =	wrdreg $0x0  }
0x20: {  	s5 =	sshll.u32 s28, $0x1;
	[dreg:$0x2] =	wrdreg s3  }
0x21: {  	[dreg:$0x3] =	wrdreg s5  }
0x22: {  	[dreg:$0x4] =	wrdreg $0xC0  }
0x23: {  	_ =	task [dreg:s7], $0x5FFFF  }
0x24: {  	[dreg:$0x1] =	wrdreg $0xFFFFFFFF  }
0x25: {  	[dreg:$0x0] =	wrdreg $0x60  }
0x26: {  	[dreg:$0x2] =	wrdreg s2  }
0x27: {  	[dreg:$0x3] =	wrdreg s25  }
0x28: {  	[dreg:$0x4] =	wrdreg $0x9  }
0x29: {  	_ =	task.clear_ibuf [dreg:s7], $0x5FFFF;
	_ =	strace $0x90000046  }
0x2a: {  	s29 =	simm.s32 $0x9;
	_ =	strace $0x80000048  }
0x2b: {  	_ =	swait.ge [sflag:s29], $0x1  }
0x2c: {  	[sflag:s29] =	ssyncadd.s32 $0xFFFFFFFF  }
0x2d: {  	_ =	strace $0x90000048  }
0x2e: {  	_ =	sfence  }
0x2f: {  	s30 =	sld [smem:$0x0];
	_ =	sdelay $0x2  }
0x30: {  	s31 =	sshll.u32 s1, $0xD;
	s1 =	sshrl.u32 s1, $0x2  }
0x31: {  	s3 =	sand.u32 $0x4000, s31;
	s1 =	sadd.s32 s1, s30  }
0x32: {  	s0 =	sor.u32 s3, s0;
	s1 =	sshll.u32 s1, $0x11  }
0x33: {  	s0 =	sor.u32 s1, s0  }
0x34: {  	s0 =	sadd.s32 $0x8F2B, s0  }
0x35: {  	[sflag:s0] =	ssyncadd.remote.s32 $0x1  }
0x36: {  	_ =	sfence.sel $0xFFFF  }
0x37: {  	[dreg:$0x0] =	wrdreg $0xFFFFFFFF;
	(pc) =	sbr.abs _section_cstart, $3  }
0x38: {  	[dreg:$0x1] =	wrdreg $0xFFFFFFFF  }
0x39: {  	_ =	task.clear_ibuf [dreg:s7], $0x2FFFF;
	_ =	strace $0x9FFFFFFF  }
0x3a: {  	(tm) =	ssettm $0x7FFFFFFF  }
0x3b: {  	_ =	shalt  }
tec
execute0_lowered:
.L_overlay_start_1:
0x0: {  	(tag) =	ssettag $0x1  }
0x1: {  	s0 =	stileid.u32;
	s6 =	rddreg [dreg:$0x0]  }
0x2: {  	s1 =	srdreg.scid;
	s7 =	rddreg [dreg:$0x1];
	s30 =	simm.s32 $0x2  }
0x3: {  	s2 =	sshll.u32 s0, $0x3;
	s3 =	sshll.u32 s0, $0x5;
	s4 =	sshll.u32 s1, $0x9  }
0x4: {  	s14 =	simm.s32 $0x0;
	s1 =	sand.u32 $0x38, s2;
	s27 =	sor.u32 s3, s4  }
0x5: {  	s11 =	simm.s32 $0x0;
	s2 =	sand.u32 $0x300, s27;
	s28 =	ssub.s32 $0x40, s1  }
0x6: {  	s16 =	simm.s32 $0x0;
	s29 =	sand.u32 $0x38, s28;
	s5 =	ssub.s32 $0x400, s2  }
0x7: {  	s4 =	simm.s32 $0x1;
	p0 =	sne.s32 s29, $0x0;
	s8 =	sand.u32 $0x300, s5  }
0x8: {  	s4 =	simm.s32 @!p0 $0x0;
	p0 =	sne.s32 s8, $0x0;
	s8 =	simm.s32 $0x1  }
0x9: {  	s9 =	sshrl.u32 s28, $0x6;
	s5 =	sshrl.u32 s5, $0xA;
	s8 =	simm.s32 @!p0 $0x0  }
0xa: {  	s15 =	simm.s32 $0x0;
	s9 =	sadd.s32 s4, s9;
	s5 =	sadd.s32 s8, s5  }
0xb: {  	s12 =	simm.s32 $0x0;
	s13 =	simm.s32 $0x0;
	s5 =	smul.u32 s5, s9  }
.Ltmp0:
0xc: {  	s22 =	simm.s32 $0x0;
	s3 =	rddreg [dreg:$0x2];
	(pc) =	sbr.rel .LBB1_1-.Ltmp0, $4  }
0xd: {  	_ =	strace $0x80000047;
	s10 =	sshll.u32 s1, $0xA;
	s31 =	sadd.s32 s2, s6  }
0xe: {  	s6 =	sadd.s32 $0x800, s7;
	s4 =	simm.s32 $0x1;
	s5 =	smul.u32 $0x19, s5  }
0xf: {  	s7 =	sadd.s32 s31, s10;
	s10 =	simm.s32 $0x10000;
	[sflag:s4] =	ssyncpa.u1 $0x0  }
0x10: {  	[sflag:s30] =	ssyncpa.u1 $0x0;
	s9 =	simm.s32 $0x800;
	s8 =	sadd.s32 $0x1, s5  }
.LBB1_7:
0x11: {  	s17 =	sadd.s32 $0x1, s12  }
0x12: {  	p1 =	sgt.s32 s17, $0x18  }
0x13: {  	s17 =	simm.s32 @p1 $0x0;
	p1 =	sne.s32 s13, s8  }
.Ltmp1:
0x14: {  	p0 =	slt.u32 s13, $0x2;
	(pc) =	sbr.rel @!p1 .LBB1_8-.Ltmp1, $4  }
0x15: {  	s18 =	sadd.s32 $0x1, s13;
	s14 =	simm.s32 @!p0 $0x2  }
0x16: {  	s15 =	smov.u32 s12;
	s11 =	sadd.s32 $0x4000, s11;
	_ =	swait.ge @!p0 [sflag:s14], $0x4000  }
0x17: {  	s16 =	smov.u32 s1;
	s13 =	smov.u32 s18;
	[sflag:s14] =	ssyncset.done @!p0 $0x0  }
0x18: {  	s12 =	smov.u32 s17;
	[sflag:s14] =	ssyncadd.s32 @!p0 $0xFFFFC000;
	s14 =	smov.u32 s2  }
.LBB1_1:
0x19: {  	p0 =	sge.u32 s13, s5  }
0x1a: {  	s31 =	sadd.s32 $0xFFFFFFFF, s13;
	s17 =	sxor.u32 @!p0 $0xFFFFFFFF, s13  }
0x1b: {  	s18 =	sshll.u32 @!p0 s12, $0x10;
	s19 =	simm.s32 @!p0 $0x800;
	s17 =	sshll.u32 @!p0 s17, $0xE  }
0x1c: {  	s20 =	simm.s32 @!p0 $0x2000;
	s18 =	sadd.s32 @!p0 s18, s7;
	s17 =	sand.u32 @!p0 $0x4000, s17  }
0x1d: {  	[tilespmem:s17], [sflag:$0x1] =	stream.strided.gather @!p0 [hbm4b:s18+s19], $0x4000, s20, s19, $0x38;
	[tilespmem:$0x10000] =	vst v63  }
0x1e: {  	p0 =	sge.u32 s31, s5  }
.Ltmp2:
0x1f: {  	_ = 	snop;
	(pc) =	sbr.rel @p0 .LBB1_7-.Ltmp2, $1  }
0x20: {  	_ =	sdelay $0x3  }
0x21: {  	s17 =	sshll.u32 s11, $0x2;
	_ =	swait.ge [sflag:s4], $0x4000;
	s31 =	sshll.u32 s13, $0xE  }
0x22: {  	p0 =	por $0x0, $0x0;
	s23 =	simm.s32 $0x0;
	s24 =	simm.s32 $0x0  }
0x23: {  	s17 =	sand.u32 $0x10000, s17;
	[sflag:s4] =	ssyncset.done $0x0;
	s20 =	sand.u32 $0x4000, s31  }
0x24: {  	s21 =	sshrl.u32 s17, $0x2;
	[sflag:s4] =	ssyncadd.s32 $0xFFFFC000;
	s17 =	sor.u32 $0x8000, s20  }
0x25: {  	s18 =	sor.u32 $0x40, s21;
	s19 =	sor.u32 $0x8410, s21;
	s21 =	sadd.s32 $0x8400, s21  }
.LBB1_3:
0x26: {  	v1 =	vld [tilespmem:s18+$0xFFFFFFD0]  }
0x27: {  	v2 =	vld [tilespmem:s18+$0x430]  }
0x28: {  	s25 =	sshll.u32 s24, $0xB;
	v4 =	vld [tilespmem:s18+$0xFFFFFFE0]  }
0x29: {  	v7 =	vld [tilespmem:s18+$0xFFFFFFF0];
	v0 =	vmov s25  }
0x2a: {  	v8 =	vld [tilespmem:s18+$0x0]  }
0x2b: {  	s31 =	sand.u32 $0x300, s22;
	v9 =	vld [tilespmem:s18+$0x10]  }
0x2c: {  	s26 =	sand.u32 $0x80, s22;
	v10 =	vld [tilespmem:s18+$0x20];
	s25 =	sadd.s32 s31, s20  }
0x2d: {  	v11 =	vld [tilespmem:s18+$0x30];
	s25 =	sadd.s32 s26, s25;
	s26 =	simm.s32 $0x1;
	[tilespmem:s19+$0x60] =	vst v2  }
0x2e: {  	s31 =	sshll.u32 s23, $0x2;
	s26 =	simm.s32 @!p0 $0x0;
	[tilespmem:s19+$0xFFFFFC00] =	vst v1;
	v3 =	vld.idx.msk [tilespmem:v0+s25+$0x400 ss:$0x1], $0xffff  }
0x2f: {  	v6 =	vld [tilespmem:s18+$0x3D0];
	s26 =	sshll.u32 s26, $0x9;
	[tilespmem:s19+$0xFFFFFC10] =	vst v4;
	s25 =	sand.u32 $0xFFFFFC00, s31  }
0x30: {  	v5 =	vld [tilespmem:s18+$0x3E0];
	[tilespmem:s19+$0xFFFFFC20] =	vst v7;
	s25 =	sor.u32 s26, s25  }
0x31: {  	[tilespmem:s19+$0xFFFFFC30] =	vst v8;
	v4 =	vld [tilespmem:s18+$0x400];
	s25 =	sshrl.u32 s25, $0x2  }
0x32: {  	[tilespmem:s19+$0xFFFFFC40] =	vst v9;
	v1 =	vld [tilespmem:s18+$0x410];
	s25 =	sadd.s32 s25, s21  }
0x33: {  	[tilespmem:s25+$0x0] =	vst v3;
	v3 =	vld [tilespmem:s18+$0x3F0]  }
0x34: {  	s29 =	simm.s32 $0x80;
	s28 =	simm.s32 $0x100;
	[tilespmem:s19+$0xFFFFFC50] =	vst v10;
	v2 =	vld [tilespmem:s18+$0x420]  }
0x35: {  	s27 =	smov.u32 s19;
	s30 =	sand.u32 $0x300, s29;
	v7 =	vld [tilespmem:s18+$0xFFFFFFC0];
	[tilespmem:s19+$0xFFFFFC60] =	vst v11;
	s26 =	sadd.s32 $0x80, s18  }
.LBB1_4:
0x36: {  	p1 =	sne.s32 s28, $0x380;
	v8 =	vld [tilespmem:s26+$0xFFFFFFD0];
	s29 =	sand.u32 $0x80, s29;
	s30 =	sadd.s32 s30, s20;
	[tilespmem:s27+$0x0] =	vst v6  }
0x37: {  	s30 =	sadd.s32 s29, s30;
	v6 =	vld [tilespmem:s26+$0x430];
	[tilespmem:s27+$0x10] =	vst v5;
	s29 =	smov.u32 s28  }
0x38: {  	v5 =	vld.idx.msk [tilespmem:v0+s30+$0x400 ss:$0x1], $0xffff;
	[tilespmem:s27+$0x20] =	vst v3  }
0x39: {  	v3 =	vld [tilespmem:s26+$0xFFFFFFE0];
	[tilespmem:s27+$0x30] =	vst v4  }
0x3a: {  	v4 =	vld [tilespmem:s26+$0xFFFFFFF0];
	[tilespmem:s27+$0xFFFFFBF0] =	vst v7  }
0x3b: {  	v7 =	vld [tilespmem:s26+$0x0];
	[tilespmem:s27+$0x40] =	vst v1  }
0x3c: {  	v1 =	vld [tilespmem:s26+$0x10];
	[tilespmem:s27+$0x50] =	vst v2;
	s27 =	sadd.s32 $0x800, s27  }
0x3d: {  	s25 =	sadd.s32 $0x800, s25;
	v2 =	vld [tilespmem:s26+$0x20];
	[tilespmem:s27+$0x60] =	vst v6  }
0x3e: {  	v9 =	vld [tilespmem:s26+$0x30];
	[tilespmem:s25+$0x0] =	vst v5  }
0x3f: {  	[tilespmem:s27+$0xFFFFFC00] =	vst v8;
	v6 =	vld [tilespmem:s26+$0x3D0]  }
0x40: {  	[tilespmem:s27+$0xFFFFFC10] =	vst v3;
	v5 =	vld [tilespmem:s26+$0x3E0]  }
.Ltmp3:
0x41: {  	[tilespmem:s27+$0xFFFFFC20] =	vst v4;
	v3 =	vld [tilespmem:s26+$0x3F0];
	(pc) =	sbr.rel @p1 .LBB1_4-.Ltmp3, $4  }
0x42: {  	[tilespmem:s27+$0xFFFFFC30] =	vst v7;
	v4 =	vld [tilespmem:s26+$0x400]  }
0x43: {  	[tilespmem:s27+$0xFFFFFC40] =	vst v1;
	v1 =	vld [tilespmem:s26+$0x410]  }
0x44: {  	[tilespmem:s27+$0xFFFFFC50] =	vst v2;
	v2 =	vld [tilespmem:s26+$0x420]  }
0x45: {  	s28 =	sadd.s32 $0x80, s28;
	s30 =	sand.u32 $0x300, s29;
	v7 =	vld [tilespmem:s26+$0xFFFFFFC0];
	[tilespmem:s27+$0xFFFFFC60] =	vst v9;
	s26 =	sadd.s32 $0x80, s26  }
0x46: {  	[tilespmem:s27+$0x0] =	vst v6  }
0x47: {  	[tilespmem:s27+$0x10] =	vst v5  }
0x48: {  	v49 =	vld [tilespmem:s26+$0x430];
	[tilespmem:s27+$0x20] =	vst v3  }
0x49: {  	v50 =	vld [tilespmem:s26+$0xFFFFFFD0];
	[tilespmem:s27+$0x30] =	vst v4  }
0x4a: {  	v51 =	vld [tilespmem:s26+$0xFFFFFFE0];
	[tilespmem:s27+$0x40] =	vst v1  }
0x4b: {  	v52 =	vld [tilespmem:s26+$0xFFFFFFF0];
	[tilespmem:s27+$0x50] =	vst v2  }
0x4c: {  	s31 =	sadd.s32 $0x800, s27;
	v53 =	vld [tilespmem:s26+$0x0];
	[tilespmem:s27+$0xFFFFFBF0] =	vst v7  }
0x4d: {  	v54 =	vld [tilespmem:s26+$0x10];
	[tilespmem:s31+$0x60] =	vst v49  }
0x4e: {  	v55 =	vld [tilespmem:s26+$0x20];
	[tilespmem:s31+$0xFFFFFC00] =	vst v50  }
0x4f: {  	v56 =	vld [tilespmem:s26+$0x30];
	[tilespmem:s31+$0xFFFFFC10] =	vst v51  }
0x50: {  	v57 =	vld [tilespmem:s26+$0x3D0];
	[tilespmem:s31+$0xFFFFFC20] =	vst v52  }
0x51: {  	v58 =	vld [tilespmem:s26+$0x3E0];
	[tilespmem:s31+$0xFFFFFC30] =	vst v53  }
0x52: {  	v59 =	vld [tilespmem:s26+$0x3F0];
	[tilespmem:s31+$0xFFFFFC40] =	vst v54  }
0x53: {  	v60 =	vld [tilespmem:s26+$0x400];
	[tilespmem:s31+$0xFFFFFC50] =	vst v55  }
0x54: {  	v61 =	vld [tilespmem:s26+$0xFFFFFFC0];
	[tilespmem:s31+$0xFFFFFC60] =	vst v56  }
0x55: {  	s28 =	sand.u32 $0x80, s29;
	s30 =	sadd.s32 s30, s20;
	v62 =	vld [tilespmem:s26+$0x410];
	[tilespmem:s31+$0x0] =	vst v57  }
0x56: {  	v63 =	vld [tilespmem:s26+$0x420];
	s24 =	sadd.s32 $0x1, s24;
	s28 =	sadd.s32 s28, s30;
	[tilespmem:s31+$0x10] =	vst v58  }
0x57: {  	p1 =	sne.s32 s24, $0x8;
	v0 =	vld.idx.msk [tilespmem:v0+s28+$0x400 ss:$0x1], $0xffff;
	[tilespmem:s31+$0x20] =	vst v59  }
.Ltmp4:
0x58: {  	[tilespmem:s31+$0x30] =	vst v60;
	(pc) =	sbr.rel @p1 .LBB1_3-.Ltmp4, $4  }
0x59: {  	[tilespmem:s31+$0xFFFFFBF0] =	vst v61  }
0x5a: {  	[tilespmem:s31+$0x40] =	vst v62  }
0x5b: {  	s25 =	sadd.s32 $0x800, s25;
	s18 =	sadd.s32 $0x800, s18;
	[tilespmem:s31+$0x50] =	vst v63  }
0x5c: {  	s23 =	sadd.s32 $0x80, s23;
	p0 =	por !p0, !p0;
	s19 =	sadd.s32 $0x80, s19;
	[tilespmem:s25+$0x0] =	vst v0  }
.Ltmp5:
0x5d: {  	s15 =	sshll.u32 s15, $0x10;
	(pc) =	sbr.rel .LBB1_7-.Ltmp5, $4  }
0x5e: {  	s15 =	sadd.s32 s6, s15  }
0x5f: {  	s16 =	sshll.u32 s16, $0x7;
	s14 =	sadd.s32 s14, s15  }
0x60: {  	s14 =	sadd.s32 s16, s14  }
0x61: {  	[hbm4b:s14+s9] =	stream.strided.scatter [tilespmem:s17], [sflag:$0x2], $0x4000, s10, s9, $0x38;
	[tilespmem:$0x10000] =	vst v63  }
.LBB1_8:
0x62: {  	_ =	sfence.sel $0x180000  }
0x63: {  	s1 =	simm.s32 $0x1;
	[bflag:$0x0] =	sbarrier.arrive $0xFFFF  }
0x64: {  	s31 =	simm.s32 $0x2;
	[sflag:s1] =	ssyncpa.u1 $0x1  }
0x65: {  	[sflag:s31] =	ssyncpa.u1 $0x1  }
0x66: {  	p0 =	sne.s32 s0, $0x0;
	_ =	strace $0x90000047  }
0x67: {  	s0 =	sadd.s32 @!p0 $0x100000, s3;
	[bflag:$0x2] =	sbarrier.arrive $0xFFFF  }
0x68: {  	[sflag:s0] =	ssyncadd.tile.s32 @!p0 $0x1;
	_ =	shalt  }
.Lfunc_end1:
_tile_overlayer_lowered:
.L_overlay_start_2:
0x69: {  	(tag) =	ssettag $0x2  }
0x6a: {  	s0 =	rddreg [dreg:$0x0];
	s2 =	stileid.u32  }
0x6b: {  	s1 =	rddreg [dreg:$0x1];
	p0 =	sne.s32 s2, $0x0  }
0x6c: {  	s3 =	rddreg [dreg:$0x2];
	[bflag:$0x3] =	sbarrier.arrive $0xFFFF;
	s2 =	simm.s32 @!p0 $0x1C01  }
0x6d: {  	[timem:s3], [sflag:s2] =	dma.local @!p0 [hbm:s0], s1  }
0x6e: {  	s0 =	simm.s32 @!p0 $0x1  }
0x6f: {  	_ =	swait.ge @!p0 [sflag:s0], s1  }
0x70: {  	s1 =	ssub.s32 @!p0 $0x0, s1;
	[sflag:s0] =	ssyncset.done @!p0 $0x0  }
0x71: {  	[sflag:s0] =	ssyncadd.s32 @!p0 s1  }
0x72: {  	[bflag:$0x3] =	sbarrier.arrive $0xFFFF  }
0x73: {  	_ =	shalt  }

// kernel: sparse-core-data-format-call.cloned.1.call-start
scs
called_computation_lowered:
.L_overlay_start_0:
0x0: {  	s1 =	sld [smem:$0x3FD9]  }
0x1: {  	s2 =	sld [smem:$0x3FFE];
	_ =	sdelay $0x1  }
0x2: {  	s3 =	srdreg.scid  }
0x3: {  	s0 =	sand.u32 $0x1, s3  }
0x4: {  	s17 =	sshll.u32 s0, $0xA;
	s1 =	sadd.s32 s2, s1  }
0x5: {  	s1 =	sadd.s32 s1, s17  }
0x6: {  	[smem:$0x3FC7] =	sst s1  }
0x7: {  	_ = 	snop  }
0x8: {  	(tm) =	ssettm $0x1  }
0x9: {  	s18 =	sld [smem:$0x3FFB];
	_ =	sdelay $0x3  }
0xa: {  	_ =	strace s18  }
0xb: {  	s1 =	sld [smem:$0x3FFC];
	_ =	sdelay $0x3  }
0xc: {  	_ =	strace s1  }
0xd: {  	s1 =	sld [smem:$0x3FFD];
	_ =	sdelay $0x3  }
0xe: {  	_ =	strace s1  }
0xf: {  	_ =	strace $0x8FFFFFFF  }
0x10: {  	s19 =	sld [smem:$0x3FDB];
	_ =	sdelay $0x1  }
0x11: {  	s20 =	simm.s32 $_scs_section_size  }
0x12: {  	s4 =	simm.s32 $_size__tile_overlayer_lowered;
	s5 =	simm.s32 $_tile_overlayer_lowered  }
0x13: {  	s23 =	simm.s32 $0x1BFF;
	s22 =	sshll.u32 s5, $0x1;
	s1 =	sadd.s32 s20, s19  }
0x14: {  	s6 =	simm.s32 $0x0;
	s21 =	sshll.u32 s4, $0x1;
	s4 =	sadd.s32 s22, s1  }
0x15: {  	[timem:s6], [sflag:s23] =	dma.local [hbm:s4], s21  }
0x16: {  	_ =	swait.ge [sflag:s23], s21  }
0x17: {  	s2 =	ssub.s32 $0x0, s21;
	[sflag:s23] =	ssyncset.done $0x0  }
0x18: {  	[sflag:s23] =	ssyncadd.s32 s2;
	_ =	sdelay $0x1  }
0x19: {  	s24 =	simm.s32 $0x1B8B  }
0x1a: {  	_ =	swait.ge [sflag:s24], $0x1  }
0x1b: {  	[sflag:s24] =	ssyncset.done $0x0  }
0x1c: {  	s26 =	simm.s32 $0x1B8E;
	s25 =	sld [smem:$0x3FFE];
	[sflag:s24] =	ssyncadd.s32 $0xFFFFFFFF  }
0x1d: {  	s27 =	simm.s32 $execute0_lowered;
	[smem:$0x3FD2] =	sst s26  }
0x1e: {  	s4 =	sshll.u32 s27, $0x1;
	_ =	strace $0x80000049;
	[dreg:$0x1] =	wrdreg $0xFFFFFFFF  }
0x1f: {  	s28 =	simm.s32 $_size_execute0_lowered;
	s1 =	sadd.s32 s1, s4;
	[dreg:$0x0] =	wrdreg $0x0  }
0x20: {  	s4 =	sshll.u32 s28, $0x1;
	[dreg:$0x2] =	wrdreg s1  }
0x21: {  	[dreg:$0x3] =	wrdreg s4  }
0x22: {  	[dreg:$0x4] =	wrdreg $0xC0  }
0x23: {  	_ =	task [dreg:s6], $0x5FFFF  }
0x24: {  	[dreg:$0x1] =	wrdreg $0xFFFFFFFF  }
0x25: {  	[dreg:$0x0] =	wrdreg $0x60  }
0x26: {  	[dreg:$0x2] =	wrdreg s25  }
0x27: {  	[dreg:$0x3] =	wrdreg $0x9  }
0x28: {  	_ =	task.clear_ibuf [dreg:s6], $0x4FFFF;
	_ =	strace $0x90000049  }
0x29: {  	s29 =	simm.s32 $0x9;
	_ =	strace $0x8000004B  }
0x2a: {  	_ =	swait.ge [sflag:s29], $0x1  }
0x2b: {  	[sflag:s29] =	ssyncadd.s32 $0xFFFFFFFF  }
0x2c: {  	_ =	strace $0x9000004B  }
0x2d: {  	_ =	sfence  }
0x2e: {  	s30 =	sld [smem:$0x0];
	_ =	sdelay $0x2  }
0x2f: {  	s31 =	sshll.u32 s3, $0xD;
	s3 =	sshrl.u32 s3, $0x2  }
0x30: {  	s2 =	sand.u32 $0x4000, s31;
	s1 =	sadd.s32 s3, s30  }
0x31: {  	s0 =	sor.u32 s2, s0;
	s1 =	sshll.u32 s1, $0x11  }
0x32: {  	s0 =	sor.u32 s1, s0  }
0x33: {  	s0 =	sadd.s32 $0x8F2B, s0  }
0x34: {  	[sflag:s0] =	ssyncadd.remote.s32 $0x1  }
0x35: {  	_ =	sfence.sel $0xFFFF  }
0x36: {  	[dreg:$0x0] =	wrdreg $0xFFFFFFFF;
	(pc) =	sbr.abs _section_cstart, $3  }
0x37: {  	[dreg:$0x1] =	wrdreg $0xFFFFFFFF  }
0x38: {  	_ =	task.clear_ibuf [dreg:s6], $0x2FFFF;
	_ =	strace $0x9FFFFFFF  }
0x39: {  	(tm) =	ssettm $0x7FFFFFFF  }
tec
execute0_lowered:
.L_overlay_start_1:
0x0: {  	(tag) =	ssettag $0x1  }
0x1: {  	s0 =	srdreg.scid  }
0x2: {  	s1 =	sshll.u32 s0, $0x4  }
0x3: {  	s4 =	rddreg [dreg:$0x0];
	s0 =	stileid.u32;
	s1 =	sand.u32 $0x10, s1  }
0x4: {  	s7 =	simm.s32 $0x1;
	s8 =	simm.s32 $0x2;
	s1 =	sor.u32 s0, s1  }
0x5: {  	s9 =	simm.s32 $0x0;
	s12 =	simm.s32 $0x0;
	s2 =	sshll.u32 s1, $0x1  }
0x6: {  	s11 =	simm.s32 $0x0;
	s3 =	sadd.s32 $0x800, s4;
	s6 =	ssub.s32 $0x640, s2  }
.Ltmp0:
0x7: {  	s4 =	sadd.s32 $0x190800, s4;
	s5 =	sand.u32 $0x3E, s6;
	(pc) =	sbr.rel .LBB1_1-.Ltmp0, $4  }
0x8: {  	s1 =	rddreg [dreg:$0x1];
	_ =	strace $0x8000004A;
	p0 =	sne.s32 s5, $0x0  }
0x9: {  	s6 =	sshrl.u32 s6, $0x6;
	s5 =	simm.s32 $0x1;
	s7 =	simm.s32 @!p0 $0x0  }
0xa: {  	s10 =	smov.u32 s2;
	[sflag:s5] =	ssyncpa.u1 $0x0;
	s6 =	sadd.s32 s7, s6  }
0xb: {  	[sflag:s8] =	ssyncpa.u1 $0x0;
	s8 =	simm.s32 $0x0;
	s7 =	sadd.s32 $0x1, s6  }
.LBB1_9:
0xc: {  	s14 =	sadd.s32 $0x40, s10  }
0xd: {  	p1 =	sgt.s32 s14, $0x63F  }
0xe: {  	s14 =	smov.u32 @p1 s2;
	p1 =	sne.s32 s11, s7  }
.Ltmp1:
0xf: {  	p0 =	slt.u32 s11, $0x2;
	(pc) =	sbr.rel @!p1 .LBB1_10-.Ltmp1, $4  }
0x10: {  	s13 =	simm.s32 @!p0 $0x2  }
0x11: {  	s15 =	sadd.s32 $0x1, s11;
	_ =	swait.ge @!p0 [sflag:s13], $0x4000  }
0x12: {  	s12 =	smov.u32 s10;
	s9 =	sadd.s32 $0x4000, s9;
	[sflag:s13] =	ssyncset.done @!p0 $0x0  }
0x13: {  	s11 =	smov.u32 s15;
	s10 =	smov.u32 s14;
	[sflag:s13] =	ssyncadd.s32 @!p0 $0xFFFFC000  }
.LBB1_1:
0x14: {  	p0 =	sge.u32 s11, s6  }
0x15: {  	s13 =	sxor.u32 @!p0 $0xFFFFFFFF, s11  }
0x16: {  	s31 =	sadd.s32 $0xFFFFFFFF, s11;
	s14 =	sshll.u32 @!p0 s10, $0xA;
	s13 =	sshll.u32 @!p0 s13, $0xE  }
0x17: {  	s15 =	simm.s32 @!p0 $0x0;
	s14 =	sadd.s32 @!p0 s3, s14;
	s13 =	sand.u32 @!p0 $0x4000, s13  }
0x18: {  	[tilespmem:s13], [sflag:$0x1] =	stream.linear.gather @!p0 [hbm4b:s14+s15], $0x4000, $0x38;
	[tilespmem:$0x10000] =	vst v63  }
0x19: {  	p0 =	sge.u32 s31, s6  }
.Ltmp2:
0x1a: {  	_ = 	snop;
	(pc) =	sbr.rel @p0 .LBB1_9-.Ltmp2, $1  }
0x1b: {  	_ =	sdelay $0x3  }
0x1c: {  	s13 =	sshll.u32 s9, $0x2  }
0x1d: {  	_ =	swait.ge [sflag:s5], $0x4000;
	s14 =	sshll.u32 s11, $0xE;
	s16 =	simm.s32 $0x0  }
0x1e: {  	p1 =	por $0x1, $0x1;
	s13 =	sand.u32 $0x10000, s13;
	[sflag:s5] =	ssyncset.done $0x0  }
0x1f: {  	s14 =	sand.u32 $0x4000, s14;
	s15 =	sshrl.u32 s13, $0x2;
	[sflag:s5] =	ssyncadd.s32 $0xFFFFC000  }
0x20: {  	s13 =	sor.u32 $0x8000, s14;
	s14 =	sadd.s32 $0x8040, s15;
	s15 =	sadd.s32 $0x40, s15  }
.LBB1_3:
0x21: {  	s16 =	sshll.u32 s16, $0x2  }
0x22: {  	p0 =	por p1, p1;
	s17 =	sshra.s32 s16, $0x2  }
0x23: {  	s18 =	simm.s32 $0x0;
	s16 =	sadd.s32 s17, s14;
	s17 =	sadd.s32 s17, s15  }
.LBB1_4:
0x24: {  	v0 =	vmov s17;
	_ =	sdelay $0x3  }
0x25: {  	s20 =	simm.s32 $0x0  }
0x26: {  	v6 =	vld.idx.msk [tilespmem:v0+s20+$0x30 ss:$0x1], $0xffff  }
0x27: {  	v7 =	vld.idx.msk [tilespmem:v0+s20+$0xFFFFFFC0 ss:$0x1], $0xffff  }
0x28: {  	v5 =	vld.idx.msk [tilespmem:v0+s20+$0xFFFFFFD0 ss:$0x1], $0xffff  }
0x29: {  	v4 =	vld.idx.msk [tilespmem:v0+s20+$0xFFFFFFE0 ss:$0x1], $0xffff  }
0x2a: {  	v3 =	vld.idx.msk [tilespmem:v0+s20+$0xFFFFFFF0 ss:$0x1], $0xffff  }
0x2b: {  	v1 =	vld.idx.msk [tilespmem:v0+s20+$0x0 ss:$0x1], $0xffff  }
0x2c: {  	v2 =	vld.idx.msk [tilespmem:v0+s20+$0x10 ss:$0x1], $0xffff;
	[tilespmem:s16+$0x30] =	vst v6  }
0x2d: {  	s19 =	simm.s32 $0x80;
	s21 =	simm.s32 $0x400;
	[tilespmem:s16+$0xFFFFFFC0] =	vst v7;
	v6 =	vld.idx.msk [tilespmem:v0+s20+$0x20 ss:$0x1], $0xffff;
	s20 =	smov.u32 s16  }
.LBB1_5:
0x2e: {  	p1 =	sne.s32 s21, $0xE00;
	v7 =	vld.idx.msk [tilespmem:v0+s19+$0x30 ss:$0x1], $0xffff;
	[tilespmem:s20+$0xFFFFFFD0] =	vst v5  }
0x2f: {  	v8 =	vld.idx.msk [tilespmem:v0+s19+$0xFFFFFFC0 ss:$0x1], $0xffff;
	[tilespmem:s20+$0xFFFFFFE0] =	vst v4  }
0x30: {  	v5 =	vld.idx.msk [tilespmem:v0+s19+$0xFFFFFFD0 ss:$0x1], $0xffff;
	[tilespmem:s20+$0xFFFFFFF0] =	vst v3  }
.Ltmp3:
0x31: {  	v4 =	vld.idx.msk [tilespmem:v0+s19+$0xFFFFFFE0 ss:$0x1], $0xffff;
	[tilespmem:s20+$0x0] =	vst v1;
	(pc) =	sbr.rel @p1 .LBB1_5-.Ltmp3, $4  }
0x32: {  	v3 =	vld.idx.msk [tilespmem:v0+s19+$0xFFFFFFF0 ss:$0x1], $0xffff;
	[tilespmem:s20+$0x10] =	vst v2  }
0x33: {  	v1 =	vld.idx.msk [tilespmem:v0+s19+$0x0 ss:$0x1], $0xffff;
	[tilespmem:s20+$0x20] =	vst v6;
	s20 =	sadd.s32 $0x400, s20  }
0x34: {  	v2 =	vld.idx.msk [tilespmem:v0+s19+$0x10 ss:$0x1], $0xffff;
	[tilespmem:s20+$0x30] =	vst v7  }
0x35: {  	[tilespmem:s20+$0xFFFFFFC0] =	vst v8;
	v6 =	vld.idx.msk [tilespmem:v0+s19+$0x20 ss:$0x1], $0xffff;
	s19 =	sshra.s32 s21, $0x2;
	s21 =	sadd.s32 $0x200, s21  }
0x36: {  	_ =	sdelay $0x2  }
0x37: {  	[tilespmem:s20+$0xFFFFFFD0] =	vst v5  }
0x38: {  	v56 =	vld.idx.msk [tilespmem:v0+s19+$0x30 ss:$0x1], $0xffff;
	[tilespmem:s20+$0xFFFFFFE0] =	vst v4  }
0x39: {  	v57 =	vld.idx.msk [tilespmem:v0+s19+$0xFFFFFFC0 ss:$0x1], $0xffff;
	[tilespmem:s20+$0xFFFFFFF0] =	vst v3  }
0x3a: {  	v58 =	vld.idx.msk [tilespmem:v0+s19+$0xFFFFFFD0 ss:$0x1], $0xffff;
	[tilespmem:s20+$0x0] =	vst v1  }
0x3b: {  	v59 =	vld.idx.msk [tilespmem:v0+s19+$0xFFFFFFE0 ss:$0x1], $0xffff;
	[tilespmem:s20+$0x10] =	vst v2  }
0x3c: {  	v60 =	vld.idx.msk [tilespmem:v0+s19+$0xFFFFFFF0 ss:$0x1], $0xffff;
	s31 =	sadd.s32 $0x400, s20;
	[tilespmem:s20+$0x20] =	vst v6  }
0x3d: {  	v61 =	vld.idx.msk [tilespmem:v0+s19+$0x0 ss:$0x1], $0xffff;
	[tilespmem:s31+$0x30] =	vst v56  }
0x3e: {  	v62 =	vld.idx.msk [tilespmem:v0+s19+$0x10 ss:$0x1], $0xffff;
	s18 =	sadd.s32 $0x1, s18;
	[tilespmem:s31+$0xFFFFFFC0] =	vst v57  }
0x3f: {  	v63 =	vld.idx.msk [tilespmem:v0+s19+$0x20 ss:$0x1], $0xffff;
	p1 =	sne.s32 s18, $0x8;
	[tilespmem:s31+$0xFFFFFFD0] =	vst v58  }
.Ltmp4:
0x40: {  	[tilespmem:s31+$0xFFFFFFE0] =	vst v59;
	(pc) =	sbr.rel @p1 .LBB1_4-.Ltmp4, $4  }
0x41: {  	[tilespmem:s31+$0xFFFFFFF0] =	vst v60  }
0x42: {  	[tilespmem:s31+$0x0] =	vst v61  }
0x43: {  	[tilespmem:s31+$0x10] =	vst v62  }
0x44: {  	s16 =	sadd.s32 $0x80, s16;
	s17 =	sadd.s32 $0x400, s17;
	[tilespmem:s31+$0x20] =	vst v63  }
.Ltmp5:
0x45: {  	(pc) =	sbr.rel @p0 .LBB1_3-.Ltmp5, $2  }
0x46: {  	_ =	sdelay $0x2  }
0x47: {  	s16 =	simm.s32 $0x2000;
	p1 =	por $0x0, $0x0  }
.Ltmp6:
0x48: {  	(pc) =	sbr.rel .LBB1_9-.Ltmp6, $4  }
0x49: {  	_ = 	snop  }
0x4a: {  	s12 =	sshll.u32 s12, $0xA  }
0x4b: {  	s12 =	sadd.s32 s4, s12  }
0x4c: {  	[hbm4b:s12+s8] =	stream.linear.scatter [tilespmem:s13], [sflag:$0x2], $0x4000, $0x38;
	[tilespmem:$0x10000] =	vst v63  }
.LBB1_10:
0x4d: {  	_ =	sfence.sel $0x180000  }
0x4e: {  	s2 =	simm.s32 $0x1;
	[bflag:$0x0] =	sbarrier.arrive $0xFFFF  }
0x4f: {  	s31 =	simm.s32 $0x2;
	[sflag:s2] =	ssyncpa.u1 $0x1  }
0x50: {  	[sflag:s31] =	ssyncpa.u1 $0x1  }
0x51: {  	p0 =	sne.s32 s0, $0x0;
	_ =	strace $0x9000004A  }
0x52: {  	s0 =	sadd.s32 @!p0 $0x100000, s1;
	[bflag:$0x2] =	sbarrier.arrive $0xFFFF  }
0x53: {  	[sflag:s0] =	ssyncadd.tile.s32 @!p0 $0x1;
	_ =	shalt  }
.Lfunc_end1:
_tile_overlayer_lowered:
.L_overlay_start_2:
0x54: {  	(tag) =	ssettag $0x2  }
0x55: {  	s0 =	rddreg [dreg:$0x0];
	s2 =	stileid.u32  }
0x56: {  	s1 =	rddreg [dreg:$0x1];
	p0 =	sne.s32 s2, $0x0  }
0x57: {  	s3 =	rddreg [dreg:$0x2];
	[bflag:$0x3] =	sbarrier.arrive $0xFFFF;
	s2 =	simm.s32 @!p0 $0x1C01  }
0x58: {  	[timem:s3], [sflag:s2] =	dma.local @!p0 [hbm:s0], s1  }
0x59: {  	s0 =	simm.s32 @!p0 $0x1  }
0x5a: {  	_ =	swait.ge @!p0 [sflag:s0], s1  }
0x5b: {  	s1 =	ssub.s32 @!p0 $0x0, s1;
	[sflag:s0] =	ssyncset.done @!p0 $0x0  }
0x5c: {  	[sflag:s0] =	ssyncadd.s32 @!p0 s1  }
0x5d: {  	[bflag:$0x3] =	sbarrier.arrive $0xFFFF  }
0x5e: {  	_ =	shalt  }

</sc_bundles>
